<compile_context>
chip_gen: v7x
topology: tpu7x:2x2x1
jax: 0.10.2.dev20260603
libtpu: 0.0.44.dev20260713+nightly
codegen_flags: <defaults>
</compile_context>

<pallas_src>
import functools

import jax
import jax.numpy as jnp
from jax import lax
from jax.experimental import pallas as pl
from jax.experimental.pallas import tpu as pltpu
from jax.experimental.pallas import tpu_sc as plsc

NC = 2
NS = 16
NW = NC * NS
CHUNK = 80
NBUF = 4
NSPAN = 4


def _sc_aggregate(x, src4, dst4, zeros, n_chunks):
    n_nodes, d = x.shape
    acc_rows = zeros.shape[0]
    zrows = acc_rows // NS
    span = n_chunks // NSPAN

    mesh = plsc.VectorSubcoreMesh(core_axis_name="c", subcore_axis_name="s")

    @functools.partial(
        pl.kernel,
        out_type=jax.ShapeDtypeStruct((NC, acc_rows, d), jnp.float32),
        mesh=mesh,
        scratch_types=[
            pltpu.VMEM((span, CHUNK), jnp.int32),
            pltpu.VMEM((span, CHUNK), jnp.int32),
        ] + [pltpu.VMEM((CHUNK, d), jnp.float32) for _ in range(NBUF)] + [
            pltpu.VMEM_SHARED((acc_rows, d), jnp.float32),
        ] + [pltpu.SemaphoreType.DMA for _ in range(NBUF)],
    )
    def sc_kernel(x_hbm, src_hbm, dst_hbm, zeros_hbm, out_hbm,
                  src_v, dst_v, *rest):
        rows = rest[:NBUF]
        acc = rest[NBUF]
        sems = rest[NBUF + 1:]
        c = lax.axis_index("c")
        s = lax.axis_index("s")
        wid = s * NC + c
        pltpu.sync_copy(zeros_hbm.at[pl.ds(s * zrows, zrows)],
                        acc.at[pl.ds(s * zrows, zrows)])
        plsc.subcore_barrier()

        for h in range(NSPAN):
            pltpu.sync_copy(src_hbm.at[wid, h], src_v)
            pltpu.sync_copy(dst_hbm.at[wid, h], dst_v)
            for b in range(NBUF):
                pltpu.async_copy(x_hbm.at[src_v.at[b]], rows[b], sems[b])

            def body(q, carry):
                j0 = q * NBUF
                for b in range(NBUF):
                    j = j0 + b
                    pltpu.make_async_copy(
                        x_hbm.at[src_v.at[j]], rows[b], sems[b]).wait()
                    pltpu.sync_copy(rows[b], acc.at[dst_v.at[j]], add=True)

                    @pl.when(j + NBUF < span)
                    def _start_next():
                        pltpu.async_copy(
                            x_hbm.at[src_v.at[j + NBUF]], rows[b], sems[b])
                return carry

            lax.fori_loop(0, span // NBUF, body, 0, unroll=False)

        plsc.subcore_barrier()
        pltpu.sync_copy(acc.at[pl.ds(s * zrows, zrows)],
                        out_hbm.at[c, pl.ds(s * zrows, zrows)])

    return sc_kernel(x, src4, dst4, zeros)


def _tc_combine_matmul(partials, W, n_nodes):
    d = W.shape[0]
    blk = 2000

    def body(p_ref, w_ref, o_ref):
        p = p_ref[...]
        ps = p[0] + p[1]
        o_ref[...] = lax.dot_general(
            ps, w_ref[...], (((1,), (1,)), ((), ())),
            preferred_element_type=jnp.float32,
            precision=lax.Precision.HIGHEST)

    return pl.pallas_call(
        body,
        grid=(n_nodes // blk,),
        in_specs=[
            pl.BlockSpec((NC, blk, d), lambda i: (0, i, 0)),
            pl.BlockSpec((d, d), lambda i: (0, 0)),
        ],
        out_specs=pl.BlockSpec((blk, d), lambda i: (i, 0)),
        out_shape=jax.ShapeDtypeStruct((n_nodes, d), jnp.float32),
    )(partials[:, :n_nodes], W)


def kernel(x, edge_index, W):
    n_nodes, d = x.shape
    e = edge_index.shape[1]
    src = edge_index[0].astype(jnp.int32)
    dst = edge_index[1].astype(jnp.int32)

    acc_rows = -(-(n_nodes + 1) // (NS * 8)) * (NS * 8)

    unit = NSPAN * max(NBUF, 8)
    n_chunks = -(-e // (NW * CHUNK * unit)) * unit
    e_pad = NW * n_chunks * CHUNK
    if e_pad != e:
        npad = e_pad - e
        pad_src = n_nodes + (jnp.arange(npad, dtype=jnp.int32)
                             % (acc_rows - n_nodes))
        pad_dst = jnp.arange(npad, dtype=jnp.int32) % acc_rows
        src = jnp.concatenate([src, pad_src])
        dst = jnp.concatenate([dst, pad_dst])
    src4 = src.reshape(NW, NSPAN, n_chunks // NSPAN, CHUNK)
    dst4 = dst.reshape(NW, NSPAN, n_chunks // NSPAN, CHUNK)

    zeros = jnp.zeros((acc_rows, d), jnp.float32)
    x_pad = zeros.at[:n_nodes].set(x)

    partials = _sc_aggregate(x_pad, src4, dst4, zeros, n_chunks)
    return _tc_combine_matmul(partials, W, n_nodes)

# --- scband reference (transcript-rebuilt; emitter-appended) ---
"""Pipeline reference for scband-wrnn-77687368450200 (READ-ONLY COPY).

The authoritative reference and input builder live on the scoring server;
editing this copy changes nothing except your own understanding.
"""

import jax, jax.numpy as jnp
import numpy as np

N_NODES = 10000
D_FEAT = 128
N_EDGES = 320000

def setup_inputs(seed: int = 0) -> dict:
    key = jax.random.key(seed)
    k1, k2 = jax.random.split(key)
    x = jax.random.normal(k1, (N_NODES, D_FEAT), dtype=jnp.float32)
    edge_index = jax.random.randint(k2, (2, N_EDGES), 0, N_NODES, dtype=jnp.int64)
    # Linear weight initialized to identity, matching nn.Parameter(torch.eye(in_channels))
    W = jnp.eye(D_FEAT, dtype=jnp.float32)
    return {"x": x, "edge_index": edge_index, "W": W}

def reference(x, edge_index, W):
    # GCNConv_nonorm forward: x = self.lin(x)  (Linear, bias=False -> x @ W.T)
    xw = x @ W.T
    # norm = ones(E, 1); message = norm * x_j where j = source nodes (edge_index[0])
    src = edge_index[0]
    dst = edge_index[1]
    norm = jnp.ones((edge_index.shape[1], 1), dtype=xw.dtype)
    msg = norm * jnp.take(xw, src, axis=0)
    # aggr='add': scatter-add messages to destination nodes
    out = jnp.zeros((x.shape[0], xw.shape[1]), dtype=xw.dtype).at[dst].add(msg)
    return out

if __name__ == "__main__":
    import jax
    _d = setup_inputs()
    print(jax.jit(kernel)(*tuple(_d.values())))

</pallas_src>

<mosaic_0001>
#map = affine_map<(d0, d1) -> (0, 0)>
#map1 = affine_map<(d0, d1) -> (0, 0, 0, 0)>
#map2 = affine_map<(d0, d1) -> (0, 0, 0)>
module attributes {stable_mosaic.version = 14 : i64} {
  func.func @sc_kernel(%arg0: i32, %arg1: i32, %arg2: memref<10112x128xf32, #tpu.memory_space<hbm>>, %arg3: memref<32x4x32x80xi32, #tpu.memory_space<hbm>>, %arg4: memref<32x4x32x80xi32, #tpu.memory_space<hbm>>, %arg5: memref<10112x128xf32, #tpu.memory_space<hbm>>, %arg6: memref<2x10112x128xf32, #tpu.memory_space<hbm>>, %arg7: memref<32x80xi32, #tpu.memory_space<vmem>>, %arg8: memref<32x80xi32, #tpu.memory_space<vmem>>, %arg9: memref<80x128xf32, #tpu.memory_space<vmem>>, %arg10: memref<80x128xf32, #tpu.memory_space<vmem>>, %arg11: memref<80x128xf32, #tpu.memory_space<vmem>>, %arg12: memref<80x128xf32, #tpu.memory_space<vmem>>, %arg13: memref<10112x128xf32, #tpu.memory_space<vmem_shared>>, %arg14: memref<!tpu.dma_semaphore, #tpu.memory_space<semaphore_mem>>, %arg15: memref<!tpu.dma_semaphore, #tpu.memory_space<semaphore_mem>>, %arg16: memref<!tpu.dma_semaphore, #tpu.memory_space<semaphore_mem>>, %arg17: memref<!tpu.dma_semaphore, #tpu.memory_space<semaphore_mem>>) attributes {dimension_semantics = [#tpu.dimension_semantics<core_parallel>, #tpu.dimension_semantics<subcore_parallel>], iteration_bounds = array<i64: 2, 16>, scalar_prefetch = 0 : i64, scratch_operands = 11 : i64, tpu.core_type = #tpu.core_type<sc_vector_subcore>, window_params = [{transform_indices = #map}, {transform_indices = #map1}, {transform_indices = #map1}, {transform_indices = #map}, {transform_indices = #map2}]} {
    %mul3A = arith.constant 2 : i32
    %mul3A_0 = arith.muli %arg1, %mul3A : i32
    %add3A = arith.addi %mul3A_0, %arg0 : i32
    %mul3A_1 = arith.constant 632 : i32
    %mul3A_2 = arith.muli %arg1, %mul3A_1 : i32
    %mul3A_3 = arith.constant 632 : i32
    %mul3A_4 = arith.muli %arg1, %mul3A_3 : i32
    "tpu.region"() ({
      %run_scoped3A_151 = tpu.sem_alloc : memref<!tpu.dma_semaphore, #tpu.memory_space<semaphore_mem>>
      %dma_start3A_152 = arith.constant 0 : i32
      %dma_start3A_153 = tpu.memref_slice %arg13[%mul3A_4, %dma_start3A_152] : memref<10112x128xf32, #tpu.memory_space<vmem_shared>> -> memref<632x128xf32, #tpu.memory_space<vmem_shared>>
      %dma_start3A_154 = arith.constant 0 : i32
      %dma_start3A_155 = tpu.memref_slice %arg5[%mul3A_2, %dma_start3A_154] : memref<10112x128xf32, #tpu.memory_space<hbm>> -> memref<632x128xf32, #tpu.memory_space<hbm>>
      tpu.enqueue_dma source(%dma_start3A_155 : memref<632x128xf32, #tpu.memory_space<hbm>>) target(%dma_start3A_153 : memref<632x128xf32, #tpu.memory_space<vmem_shared>>) target_semaphore(%run_scoped3A_151 : memref<!tpu.dma_semaphore, #tpu.memory_space<semaphore_mem>>)
      %dma_wait3A = arith.constant 0 : i32
      %dma_wait3A_156 = tpu.memref_slice %arg13[%mul3A_4, %dma_wait3A] : memref<10112x128xf32, #tpu.memory_space<vmem_shared>> -> memref<632x128xf32, #tpu.memory_space<vmem_shared>>
      %dma_wait3A_157 = arith.constant 0 : i32
      %dma_wait3A_158 = tpu.memref_slice %arg5[%mul3A_2, %dma_wait3A_157] : memref<10112x128xf32, #tpu.memory_space<hbm>> -> memref<632x128xf32, #tpu.memory_space<hbm>>
      tpu.wait_dma2 semaphore(%run_scoped3A_151 : memref<!tpu.dma_semaphore, #tpu.memory_space<semaphore_mem>>) src(%dma_wait3A_158 : memref<632x128xf32, #tpu.memory_space<hbm>>) dst(%dma_wait3A_156 : memref<632x128xf32, #tpu.memory_space<vmem_shared>>)
      tpu.yield
    }) : () -> ()
    %barrier3A = arith.constant 0 : index
    tpu.barrier barrier_id(%barrier3A)
    %run_scoped3A = arith.constant 0 : i32
    "tpu.region"() ({
      %run_scoped3A_151 = tpu.sem_alloc : memref<!tpu.dma_semaphore, #tpu.memory_space<semaphore_mem>>
      %dma_start3A_152 = arith.constant 0 : i32
      %dma_start3A_153 = arith.constant 0 : i32
      %dma_start3A_154 = tpu.memref_slice %arg3[%add3A, %run_scoped3A, %dma_start3A_152, %dma_start3A_153] : memref<32x4x32x80xi32, #tpu.memory_space<hbm>> -> memref<1x1x32x80xi32, #tpu.memory_space<hbm>>
      %dma_start3A_155 = tpu.memref_squeeze %dma_start3A_154 : memref<1x1x32x80xi32, #tpu.memory_space<hbm>> -> memref<32x80xi32, #tpu.memory_space<hbm>>
      %dma_start3A_156 = arith.constant 0 : i32
      %dma_start3A_157 = arith.constant 0 : i32
      %dma_start3A_158 = tpu.memref_slice %arg3[%add3A, %run_scoped3A, %dma_start3A_156, %dma_start3A_157] : memref<32x4x32x80xi32, #tpu.memory_space<hbm>> -> memref<1x1x32x80xi32, #tpu.memory_space<hbm>>
      %dma_start3A_159 = tpu.memref_squeeze %dma_start3A_158 : memref<1x1x32x80xi32, #tpu.memory_space<hbm>> -> memref<32x80xi32, #tpu.memory_space<hbm>>
      tpu.enqueue_dma source(%dma_start3A_159 : memref<32x80xi32, #tpu.memory_space<hbm>>) target(%arg7 : memref<32x80xi32, #tpu.memory_space<vmem>>) target_semaphore(%run_scoped3A_151 : memref<!tpu.dma_semaphore, #tpu.memory_space<semaphore_mem>>)
      %dma_wait3A = arith.constant 0 : i32
      %dma_wait3A_160 = arith.constant 0 : i32
      %dma_wait3A_161 = tpu.memref_slice %arg3[%add3A, %run_scoped3A, %dma_wait3A, %dma_wait3A_160] : memref<32x4x32x80xi32, #tpu.memory_space<hbm>> -> memref<1x1x32x80xi32, #tpu.memory_space<hbm>>
      %dma_wait3A_162 = tpu.memref_squeeze %dma_wait3A_161 : memref<1x1x32x80xi32, #tpu.memory_space<hbm>> -> memref<32x80xi32, #tpu.memory_space<hbm>>
      %dma_wait3A_163 = arith.constant 0 : i32
      %dma_wait3A_164 = arith.constant 0 : i32
      %dma_wait3A_165 = tpu.memref_slice %arg3[%add3A, %run_scoped3A, %dma_wait3A_163, %dma_wait3A_164] : memref<32x4x32x80xi32, #tpu.memory_space<hbm>> -> memref<1x1x32x80xi32, #tpu.memory_space<hbm>>
      %dma_wait3A_166 = tpu.memref_squeeze %dma_wait3A_165 : memref<1x1x32x80xi32, #tpu.memory_space<hbm>> -> memref<32x80xi32, #tpu.memory_space<hbm>>
      tpu.wait_dma2 semaphore(%run_scoped3A_151 : memref<!tpu.dma_semaphore, #tpu.memory_space<semaphore_mem>>) src(%dma_wait3A_166 : memref<32x80xi32, #tpu.memory_space<hbm>>) dst(%arg7 : memref<32x80xi32, #tpu.memory_space<vmem>>)
      tpu.yield
    }) : () -> ()
    %run_scoped3A_5 = arith.constant 0 : i32
    "tpu.region"() ({
      %run_scoped3A_151 = tpu.sem_alloc : memref<!tpu.dma_semaphore, #tpu.memory_space<semaphore_mem>>
      %dma_start3A_152 = arith.constant 0 : i32
      %dma_start3A_153 = arith.constant 0 : i32
      %dma_start3A_154 = tpu.memref_slice %arg4[%add3A, %run_scoped3A_5, %dma_start3A_152, %dma_start3A_153] : memref<32x4x32x80xi32, #tpu.memory_space<hbm>> -> memref<1x1x32x80xi32, #tpu.memory_space<hbm>>
      %dma_start3A_155 = tpu.memref_squeeze %dma_start3A_154 : memref<1x1x32x80xi32, #tpu.memory_space<hbm>> -> memref<32x80xi32, #tpu.memory_space<hbm>>
      %dma_start3A_156 = arith.constant 0 : i32
      %dma_start3A_157 = arith.constant 0 : i32
      %dma_start3A_158 = tpu.memref_slice %arg4[%add3A, %run_scoped3A_5, %dma_start3A_156, %dma_start3A_157] : memref<32x4x32x80xi32, #tpu.memory_space<hbm>> -> memref<1x1x32x80xi32, #tpu.memory_space<hbm>>
      %dma_start3A_159 = tpu.memref_squeeze %dma_start3A_158 : memref<1x1x32x80xi32, #tpu.memory_space<hbm>> -> memref<32x80xi32, #tpu.memory_space<hbm>>
      tpu.enqueue_dma source(%dma_start3A_159 : memref<32x80xi32, #tpu.memory_space<hbm>>) target(%arg8 : memref<32x80xi32, #tpu.memory_space<vmem>>) target_semaphore(%run_scoped3A_151 : memref<!tpu.dma_semaphore, #tpu.memory_space<semaphore_mem>>)
      %dma_wait3A = arith.constant 0 : i32
      %dma_wait3A_160 = arith.constant 0 : i32
      %dma_wait3A_161 = tpu.memref_slice %arg4[%add3A, %run_scoped3A_5, %dma_wait3A, %dma_wait3A_160] : memref<32x4x32x80xi32, #tpu.memory_space<hbm>> -> memref<1x1x32x80xi32, #tpu.memory_space<hbm>>
      %dma_wait3A_162 = tpu.memref_squeeze %dma_wait3A_161 : memref<1x1x32x80xi32, #tpu.memory_space<hbm>> -> memref<32x80xi32, #tpu.memory_space<hbm>>
      %dma_wait3A_163 = arith.constant 0 : i32
      %dma_wait3A_164 = arith.constant 0 : i32
      %dma_wait3A_165 = tpu.memref_slice %arg4[%add3A, %run_scoped3A_5, %dma_wait3A_163, %dma_wait3A_164] : memref<32x4x32x80xi32, #tpu.memory_space<hbm>> -> memref<1x1x32x80xi32, #tpu.memory_space<hbm>>
      %dma_wait3A_166 = tpu.memref_squeeze %dma_wait3A_165 : memref<1x1x32x80xi32, #tpu.memory_space<hbm>> -> memref<32x80xi32, #tpu.memory_space<hbm>>
      tpu.wait_dma2 semaphore(%run_scoped3A_151 : memref<!tpu.dma_semaphore, #tpu.memory_space<semaphore_mem>>) src(%dma_wait3A_166 : memref<32x80xi32, #tpu.memory_space<hbm>>) dst(%arg8 : memref<32x80xi32, #tpu.memory_space<vmem>>)
      tpu.yield
    }) : () -> ()
    %dma_start3A = arith.constant 0 : i32
    %dma_start3A_6 = arith.constant 0 : i32
    %dma_start3A_7 = tpu.memref_slice %arg7[%dma_start3A, %dma_start3A_6] : memref<32x80xi32, #tpu.memory_space<vmem>> -> memref<1x80xi32, #tpu.memory_space<vmem>>
    %dma_start3A_8 = tpu.memref_squeeze %dma_start3A_7 : memref<1x80xi32, #tpu.memory_space<vmem>> -> memref<80xi32, #tpu.memory_space<vmem>>
    %dma_start3A_9 = arith.constant 0 : i32
    %dma_start3A_10 = arith.constant 0 : i32
    %dma_start3A_11 = tpu.memref_slice %arg2[%dma_start3A_9, %dma_start3A_10] : memref<10112x128xf32, #tpu.memory_space<hbm>> -> memref<10112x128xf32, #tpu.memory_space<hbm>>
    tpu.enqueue_indirect_dma source(%dma_start3A_11 : memref<10112x128xf32, #tpu.memory_space<hbm>>) target(%arg9 : memref<80x128xf32, #tpu.memory_space<vmem>>) offsets(%dma_start3A_8 : memref<80xi32, #tpu.memory_space<vmem>>) semaphore(%arg14 : memref<!tpu.dma_semaphore, #tpu.memory_space<semaphore_mem>>)
    %dma_start3A_12 = arith.constant 1 : i32
    %dma_start3A_13 = arith.constant 0 : i32
    %dma_start3A_14 = tpu.memref_slice %arg7[%dma_start3A_12, %dma_start3A_13] : memref<32x80xi32, #tpu.memory_space<vmem>> -> memref<1x80xi32, #tpu.memory_space<vmem>>
    %dma_start3A_15 = tpu.memref_squeeze %dma_start3A_14 : memref<1x80xi32, #tpu.memory_space<vmem>> -> memref<80xi32, #tpu.memory_space<vmem>>
    %dma_start3A_16 = arith.constant 0 : i32
    %dma_start3A_17 = arith.constant 0 : i32
    %dma_start3A_18 = tpu.memref_slice %arg2[%dma_start3A_16, %dma_start3A_17] : memref<10112x128xf32, #tpu.memory_space<hbm>> -> memref<10112x128xf32, #tpu.memory_space<hbm>>
    tpu.enqueue_indirect_dma source(%dma_start3A_18 : memref<10112x128xf32, #tpu.memory_space<hbm>>) target(%arg10 : memref<80x128xf32, #tpu.memory_space<vmem>>) offsets(%dma_start3A_15 : memref<80xi32, #tpu.memory_space<vmem>>) semaphore(%arg15 : memref<!tpu.dma_semaphore, #tpu.memory_space<semaphore_mem>>)
    %dma_start3A_19 = arith.constant 2 : i32
    %dma_start3A_20 = arith.constant 0 : i32
    %dma_start3A_21 = tpu.memref_slice %arg7[%dma_start3A_19, %dma_start3A_20] : memref<32x80xi32, #tpu.memory_space<vmem>> -> memref<1x80xi32, #tpu.memory_space<vmem>>
    %dma_start3A_22 = tpu.memref_squeeze %dma_start3A_21 : memref<1x80xi32, #tpu.memory_space<vmem>> -> memref<80xi32, #tpu.memory_space<vmem>>
    %dma_start3A_23 = arith.constant 0 : i32
    %dma_start3A_24 = arith.constant 0 : i32
    %dma_start3A_25 = tpu.memref_slice %arg2[%dma_start3A_23, %dma_start3A_24] : memref<10112x128xf32, #tpu.memory_space<hbm>> -> memref<10112x128xf32, #tpu.memory_space<hbm>>
    tpu.enqueue_indirect_dma source(%dma_start3A_25 : memref<10112x128xf32, #tpu.memory_space<hbm>>) target(%arg11 : memref<80x128xf32, #tpu.memory_space<vmem>>) offsets(%dma_start3A_22 : memref<80xi32, #tpu.memory_space<vmem>>) semaphore(%arg16 : memref<!tpu.dma_semaphore, #tpu.memory_space<semaphore_mem>>)
    %dma_start3A_26 = arith.constant 3 : i32
    %dma_start3A_27 = arith.constant 0 : i32
    %dma_start3A_28 = tpu.memref_slice %arg7[%dma_start3A_26, %dma_start3A_27] : memref<32x80xi32, #tpu.memory_space<vmem>> -> memref<1x80xi32, #tpu.memory_space<vmem>>
    %dma_start3A_29 = tpu.memref_squeeze %dma_start3A_28 : memref<1x80xi32, #tpu.memory_space<vmem>> -> memref<80xi32, #tpu.memory_space<vmem>>
    %dma_start3A_30 = arith.constant 0 : i32
    %dma_start3A_31 = arith.constant 0 : i32
    %dma_start3A_32 = tpu.memref_slice %arg2[%dma_start3A_30, %dma_start3A_31] : memref<10112x128xf32, #tpu.memory_space<hbm>> -> memref<10112x128xf32, #tpu.memory_space<hbm>>
    tpu.enqueue_indirect_dma source(%dma_start3A_32 : memref<10112x128xf32, #tpu.memory_space<hbm>>) target(%arg12 : memref<80x128xf32, #tpu.memory_space<vmem>>) offsets(%dma_start3A_29 : memref<80xi32, #tpu.memory_space<vmem>>) semaphore(%arg17 : memref<!tpu.dma_semaphore, #tpu.memory_space<semaphore_mem>>)
    %scan3A = arith.constant 0 : i32
    %scan3A_33 = arith.constant 0 : i32
    %scan3A_34 = arith.constant 8 : i32
    %scan3A_35 = arith.addi %scan3A_33, %scan3A_34 : i32
    %scan3A_36 = arith.constant 1 : i32
    scf.for %scan3A_151 = %scan3A_33 to %scan3A_35 step %scan3A_36  : i32 {
      %mul3A_152 = arith.constant 4 : i32
      %mul3A_153 = arith.muli %scan3A_151, %mul3A_152 : i32
      %add3A_154 = arith.constant 0 : i32
      %add3A_155 = arith.addi %mul3A_153, %add3A_154 : i32
      %dma_wait3A = arith.constant 0 : i32
      %dma_wait3A_156 = tpu.memref_slice %arg7[%add3A_155, %dma_wait3A] : memref<32x80xi32, #tpu.memory_space<vmem>> -> memref<1x80xi32, #tpu.memory_space<vmem>>
      %dma_wait3A_157 = tpu.memref_squeeze %dma_wait3A_156 : memref<1x80xi32, #tpu.memory_space<vmem>> -> memref<80xi32, #tpu.memory_space<vmem>>
      %dma_wait3A_158 = arith.constant 0 : i32
      %dma_wait3A_159 = arith.constant 0 : i32
      %dma_wait3A_160 = tpu.memref_slice %arg2[%dma_wait3A_158, %dma_wait3A_159] : memref<10112x128xf32, #tpu.memory_space<hbm>> -> memref<10112x128xf32, #tpu.memory_space<hbm>>
      tpu.wait_indirect_dma semaphore(%arg14 : memref<!tpu.dma_semaphore, #tpu.memory_space<semaphore_mem>>) src(%dma_wait3A_160 : memref<10112x128xf32, #tpu.memory_space<hbm>>) dst(%arg9 : memref<80x128xf32, #tpu.memory_space<vmem>>)
      "tpu.region"() ({
        %run_scoped3A_210 = tpu.sem_alloc : memref<!tpu.dma_semaphore, #tpu.memory_space<semaphore_mem>>
        %dma_start3A_211 = arith.constant 0 : i32
        %dma_start3A_212 = tpu.memref_slice %arg8[%add3A_155, %dma_start3A_211] : memref<32x80xi32, #tpu.memory_space<vmem>> -> memref<1x80xi32, #tpu.memory_space<vmem>>
        %dma_start3A_213 = tpu.memref_squeeze %dma_start3A_212 : memref<1x80xi32, #tpu.memory_space<vmem>> -> memref<80xi32, #tpu.memory_space<vmem>>
        %dma_start3A_214 = arith.constant 0 : i32
        %dma_start3A_215 = arith.constant 0 : i32
        %dma_start3A_216 = tpu.memref_slice %arg13[%dma_start3A_214, %dma_start3A_215] : memref<10112x128xf32, #tpu.memory_space<vmem_shared>> -> memref<10112x128xf32, #tpu.memory_space<vmem_shared>>
        tpu.enqueue_indirect_dma source(%arg9 : memref<80x128xf32, #tpu.memory_space<vmem>>) target(%dma_start3A_216 : memref<10112x128xf32, #tpu.memory_space<vmem_shared>>) offsets(%dma_start3A_213 : memref<80xi32, #tpu.memory_space<vmem>>) semaphore(%run_scoped3A_210 : memref<!tpu.dma_semaphore, #tpu.memory_space<semaphore_mem>>) {add = true}
        %dma_wait3A_217 = arith.constant 0 : i32
        %dma_wait3A_218 = tpu.memref_slice %arg8[%add3A_155, %dma_wait3A_217] : memref<32x80xi32, #tpu.memory_space<vmem>> -> memref<1x80xi32, #tpu.memory_space<vmem>>
        %dma_wait3A_219 = tpu.memref_squeeze %dma_wait3A_218 : memref<1x80xi32, #tpu.memory_space<vmem>> -> memref<80xi32, #tpu.memory_space<vmem>>
        %dma_wait3A_220 = arith.constant 0 : i32
        %dma_wait3A_221 = arith.constant 0 : i32
        %dma_wait3A_222 = tpu.memref_slice %arg13[%dma_wait3A_220, %dma_wait3A_221] : memref<10112x128xf32, #tpu.memory_space<vmem_shared>> -> memref<10112x128xf32, #tpu.memory_space<vmem_shared>>
        tpu.wait_indirect_dma semaphore(%run_scoped3A_210 : memref<!tpu.dma_semaphore, #tpu.memory_space<semaphore_mem>>) src(%arg9 : memref<80x128xf32, #tpu.memory_space<vmem>>) dst(%dma_wait3A_222 : memref<10112x128xf32, #tpu.memory_space<vmem_shared>>)
        tpu.yield
      }) : () -> ()
      %add3A_161 = arith.constant 4 : i32
      %add3A_162 = arith.addi %add3A_155, %add3A_161 : i32
      %lt3A = arith.constant 32 : i32
      %lt3A_163 = arith.cmpi slt, %add3A_162, %lt3A : i32
      %convert_element_type3A = arith.extui %lt3A_163 : i1 to i32
      %cond3A = arith.constant 0 : i32
      %cond3A_164 = arith.cmpi ne, %convert_element_type3A, %cond3A : i32
      scf.if %cond3A_164 {
        %add3A_210 = arith.constant 4 : i32
        %add3A_211 = arith.addi %add3A_155, %add3A_210 : i32
        %dma_start3A_212 = arith.constant 0 : i32
        %dma_start3A_213 = tpu.memref_slice %arg7[%add3A_211, %dma_start3A_212] : memref<32x80xi32, #tpu.memory_space<vmem>> -> memref<1x80xi32, #tpu.memory_space<vmem>>
        %dma_start3A_214 = tpu.memref_squeeze %dma_start3A_213 : memref<1x80xi32, #tpu.memory_space<vmem>> -> memref<80xi32, #tpu.memory_space<vmem>>
        %dma_start3A_215 = arith.constant 0 : i32
        %dma_start3A_216 = arith.constant 0 : i32
        %dma_start3A_217 = tpu.memref_slice %arg2[%dma_start3A_215, %dma_start3A_216] : memref<10112x128xf32, #tpu.memory_space<hbm>> -> memref<10112x128xf32, #tpu.memory_space<hbm>>
        tpu.enqueue_indirect_dma source(%dma_start3A_217 : memref<10112x128xf32, #tpu.memory_space<hbm>>) target(%arg9 : memref<80x128xf32, #tpu.memory_space<vmem>>) offsets(%dma_start3A_214 : memref<80xi32, #tpu.memory_space<vmem>>) semaphore(%arg14 : memref<!tpu.dma_semaphore, #tpu.memory_space<semaphore_mem>>)
      } else {
      }
      %add3A_165 = arith.constant 1 : i32
      %add3A_166 = arith.addi %mul3A_153, %add3A_165 : i32
      %dma_wait3A_167 = arith.constant 0 : i32
      %dma_wait3A_168 = tpu.memref_slice %arg7[%add3A_166, %dma_wait3A_167] : memref<32x80xi32, #tpu.memory_space<vmem>> -> memref<1x80xi32, #tpu.memory_space<vmem>>
      %dma_wait3A_169 = tpu.memref_squeeze %dma_wait3A_168 : memref<1x80xi32, #tpu.memory_space<vmem>> -> memref<80xi32, #tpu.memory_space<vmem>>
      %dma_wait3A_170 = arith.constant 0 : i32
      %dma_wait3A_171 = arith.constant 0 : i32
      %dma_wait3A_172 = tpu.memref_slice %arg2[%dma_wait3A_170, %dma_wait3A_171] : memref<10112x128xf32, #tpu.memory_space<hbm>> -> memref<10112x128xf32, #tpu.memory_space<hbm>>
      tpu.wait_indirect_dma semaphore(%arg15 : memref<!tpu.dma_semaphore, #tpu.memory_space<semaphore_mem>>) src(%dma_wait3A_172 : memref<10112x128xf32, #tpu.memory_space<hbm>>) dst(%arg10 : memref<80x128xf32, #tpu.memory_space<vmem>>)
      "tpu.region"() ({
        %run_scoped3A_210 = tpu.sem_alloc : memref<!tpu.dma_semaphore, #tpu.memory_space<semaphore_mem>>
        %dma_start3A_211 = arith.constant 0 : i32
        %dma_start3A_212 = tpu.memref_slice %arg8[%add3A_166, %dma_start3A_211] : memref<32x80xi32, #tpu.memory_space<vmem>> -> memref<1x80xi32, #tpu.memory_space<vmem>>
        %dma_start3A_213 = tpu.memref_squeeze %dma_start3A_212 : memref<1x80xi32, #tpu.memory_space<vmem>> -> memref<80xi32, #tpu.memory_space<vmem>>
        %dma_start3A_214 = arith.constant 0 : i32
        %dma_start3A_215 = arith.constant 0 : i32
        %dma_start3A_216 = tpu.memref_slice %arg13[%dma_start3A_214, %dma_start3A_215] : memref<10112x128xf32, #tpu.memory_space<vmem_shared>> -> memref<10112x128xf32, #tpu.memory_space<vmem_shared>>
        tpu.enqueue_indirect_dma source(%arg10 : memref<80x128xf32, #tpu.memory_space<vmem>>) target(%dma_start3A_216 : memref<10112x128xf32, #tpu.memory_space<vmem_shared>>) offsets(%dma_start3A_213 : memref<80xi32, #tpu.memory_space<vmem>>) semaphore(%run_scoped3A_210 : memref<!tpu.dma_semaphore, #tpu.memory_space<semaphore_mem>>) {add = true}
        %dma_wait3A_217 = arith.constant 0 : i32
        %dma_wait3A_218 = tpu.memref_slice %arg8[%add3A_166, %dma_wait3A_217] : memref<32x80xi32, #tpu.memory_space<vmem>> -> memref<1x80xi32, #tpu.memory_space<vmem>>
        %dma_wait3A_219 = tpu.memref_squeeze %dma_wait3A_218 : memref<1x80xi32, #tpu.memory_space<vmem>> -> memref<80xi32, #tpu.memory_space<vmem>>
        %dma_wait3A_220 = arith.constant 0 : i32
        %dma_wait3A_221 = arith.constant 0 : i32
        %dma_wait3A_222 = tpu.memref_slice %arg13[%dma_wait3A_220, %dma_wait3A_221] : memref<10112x128xf32, #tpu.memory_space<vmem_shared>> -> memref<10112x128xf32, #tpu.memory_space<vmem_shared>>
        tpu.wait_indirect_dma semaphore(%run_scoped3A_210 : memref<!tpu.dma_semaphore, #tpu.memory_space<semaphore_mem>>) src(%arg10 : memref<80x128xf32, #tpu.memory_space<vmem>>) dst(%dma_wait3A_222 : memref<10112x128xf32, #tpu.memory_space<vmem_shared>>)
        tpu.yield
      }) : () -> ()
      %add3A_173 = arith.constant 4 : i32
      %add3A_174 = arith.addi %add3A_166, %add3A_173 : i32
      %lt3A_175 = arith.constant 32 : i32
      %lt3A_176 = arith.cmpi slt, %add3A_174, %lt3A_175 : i32
      %convert_element_type3A_177 = arith.extui %lt3A_176 : i1 to i32
      %cond3A_178 = arith.constant 0 : i32
      %cond3A_179 = arith.cmpi ne, %convert_element_type3A_177, %cond3A_178 : i32
      scf.if %cond3A_179 {
        %add3A_210 = arith.constant 4 : i32
        %add3A_211 = arith.addi %add3A_166, %add3A_210 : i32
        %dma_start3A_212 = arith.constant 0 : i32
        %dma_start3A_213 = tpu.memref_slice %arg7[%add3A_211, %dma_start3A_212] : memref<32x80xi32, #tpu.memory_space<vmem>> -> memref<1x80xi32, #tpu.memory_space<vmem>>
        %dma_start3A_214 = tpu.memref_squeeze %dma_start3A_213 : memref<1x80xi32, #tpu.memory_space<vmem>> -> memref<80xi32, #tpu.memory_space<vmem>>
        %dma_start3A_215 = arith.constant 0 : i32
        %dma_start3A_216 = arith.constant 0 : i32
        %dma_start3A_217 = tpu.memref_slice %arg2[%dma_start3A_215, %dma_start3A_216] : memref<10112x128xf32, #tpu.memory_space<hbm>> -> memref<10112x128xf32, #tpu.memory_space<hbm>>
        tpu.enqueue_indirect_dma source(%dma_start3A_217 : memref<10112x128xf32, #tpu.memory_space<hbm>>) target(%arg10 : memref<80x128xf32, #tpu.memory_space<vmem>>) offsets(%dma_start3A_214 : memref<80xi32, #tpu.memory_space<vmem>>) semaphore(%arg15 : memref<!tpu.dma_semaphore, #tpu.memory_space<semaphore_mem>>)
      } else {
      }
      %add3A_180 = arith.constant 2 : i32
      %add3A_181 = arith.addi %mul3A_153, %add3A_180 : i32
      %dma_wait3A_182 = arith.constant 0 : i32
      %dma_wait3A_183 = tpu.memref_slice %arg7[%add3A_181, %dma_wait3A_182] : memref<32x80xi32, #tpu.memory_space<vmem>> -> memref<1x80xi32, #tpu.memory_space<vmem>>
      %dma_wait3A_184 = tpu.memref_squeeze %dma_wait3A_183 : memref<1x80xi32, #tpu.memory_space<vmem>> -> memref<80xi32, #tpu.memory_space<vmem>>
      %dma_wait3A_185 = arith.constant 0 : i32
      %dma_wait3A_186 = arith.constant 0 : i32
      %dma_wait3A_187 = tpu.memref_slice %arg2[%dma_wait3A_185, %dma_wait3A_186] : memref<10112x128xf32, #tpu.memory_space<hbm>> -> memref<10112x128xf32, #tpu.memory_space<hbm>>
      tpu.wait_indirect_dma semaphore(%arg16 : memref<!tpu.dma_semaphore, #tpu.memory_space<semaphore_mem>>) src(%dma_wait3A_187 : memref<10112x128xf32, #tpu.memory_space<hbm>>) dst(%arg11 : memref<80x128xf32, #tpu.memory_space<vmem>>)
      "tpu.region"() ({
        %run_scoped3A_210 = tpu.sem_alloc : memref<!tpu.dma_semaphore, #tpu.memory_space<semaphore_mem>>
        %dma_start3A_211 = arith.constant 0 : i32
        %dma_start3A_212 = tpu.memref_slice %arg8[%add3A_181, %dma_start3A_211] : memref<32x80xi32, #tpu.memory_space<vmem>> -> memref<1x80xi32, #tpu.memory_space<vmem>>
        %dma_start3A_213 = tpu.memref_squeeze %dma_start3A_212 : memref<1x80xi32, #tpu.memory_space<vmem>> -> memref<80xi32, #tpu.memory_space<vmem>>
        %dma_start3A_214 = arith.constant 0 : i32
        %dma_start3A_215 = arith.constant 0 : i32
        %dma_start3A_216 = tpu.memref_slice %arg13[%dma_start3A_214, %dma_start3A_215] : memref<10112x128xf32, #tpu.memory_space<vmem_shared>> -> memref<10112x128xf32, #tpu.memory_space<vmem_shared>>
        tpu.enqueue_indirect_dma source(%arg11 : memref<80x128xf32, #tpu.memory_space<vmem>>) target(%dma_start3A_216 : memref<10112x128xf32, #tpu.memory_space<vmem_shared>>) offsets(%dma_start3A_213 : memref<80xi32, #tpu.memory_space<vmem>>) semaphore(%run_scoped3A_210 : memref<!tpu.dma_semaphore, #tpu.memory_space<semaphore_mem>>) {add = true}
        %dma_wait3A_217 = arith.constant 0 : i32
        %dma_wait3A_218 = tpu.memref_slice %arg8[%add3A_181, %dma_wait3A_217] : memref<32x80xi32, #tpu.memory_space<vmem>> -> memref<1x80xi32, #tpu.memory_space<vmem>>
        %dma_wait3A_219 = tpu.memref_squeeze %dma_wait3A_218 : memref<1x80xi32, #tpu.memory_space<vmem>> -> memref<80xi32, #tpu.memory_space<vmem>>
        %dma_wait3A_220 = arith.constant 0 : i32
        %dma_wait3A_221 = arith.constant 0 : i32
        %dma_wait3A_222 = tpu.memref_slice %arg13[%dma_wait3A_220, %dma_wait3A_221] : memref<10112x128xf32, #tpu.memory_space<vmem_shared>> -> memref<10112x128xf32, #tpu.memory_space<vmem_shared>>
        tpu.wait_indirect_dma semaphore(%run_scoped3A_210 : memref<!tpu.dma_semaphore, #tpu.memory_space<semaphore_mem>>) src(%arg11 : memref<80x128xf32, #tpu.memory_space<vmem>>) dst(%dma_wait3A_222 : memref<10112x128xf32, #tpu.memory_space<vmem_shared>>)
        tpu.yield
      }) : () -> ()
      %add3A_188 = arith.constant 4 : i32
      %add3A_189 = arith.addi %add3A_181, %add3A_188 : i32
      %lt3A_190 = arith.constant 32 : i32
      %lt3A_191 = arith.cmpi slt, %add3A_189, %lt3A_190 : i32
      %convert_element_type3A_192 = arith.extui %lt3A_191 : i1 to i32
      %cond3A_193 = arith.constant 0 : i32
      %cond3A_194 = arith.cmpi ne, %convert_element_type3A_192, %cond3A_193 : i32
      scf.if %cond3A_194 {
        %add3A_210 = arith.constant 4 : i32
        %add3A_211 = arith.addi %add3A_181, %add3A_210 : i32
        %dma_start3A_212 = arith.constant 0 : i32
        %dma_start3A_213 = tpu.memref_slice %arg7[%add3A_211, %dma_start3A_212] : memref<32x80xi32, #tpu.memory_space<vmem>> -> memref<1x80xi32, #tpu.memory_space<vmem>>
        %dma_start3A_214 = tpu.memref_squeeze %dma_start3A_213 : memref<1x80xi32, #tpu.memory_space<vmem>> -> memref<80xi32, #tpu.memory_space<vmem>>
        %dma_start3A_215 = arith.constant 0 : i32
        %dma_start3A_216 = arith.constant 0 : i32
        %dma_start3A_217 = tpu.memref_slice %arg2[%dma_start3A_215, %dma_start3A_216] : memref<10112x128xf32, #tpu.memory_space<hbm>> -> memref<10112x128xf32, #tpu.memory_space<hbm>>
        tpu.enqueue_indirect_dma source(%dma_start3A_217 : memref<10112x128xf32, #tpu.memory_space<hbm>>) target(%arg11 : memref<80x128xf32, #tpu.memory_space<vmem>>) offsets(%dma_start3A_214 : memref<80xi32, #tpu.memory_space<vmem>>) semaphore(%arg16 : memref<!tpu.dma_semaphore, #tpu.memory_space<semaphore_mem>>)
      } else {
      }
      %add3A_195 = arith.constant 3 : i32
      %add3A_196 = arith.addi %mul3A_153, %add3A_195 : i32
      %dma_wait3A_197 = arith.constant 0 : i32
      %dma_wait3A_198 = tpu.memref_slice %arg7[%add3A_196, %dma_wait3A_197] : memref<32x80xi32, #tpu.memory_space<vmem>> -> memref<1x80xi32, #tpu.memory_space<vmem>>
      %dma_wait3A_199 = tpu.memref_squeeze %dma_wait3A_198 : memref<1x80xi32, #tpu.memory_space<vmem>> -> memref<80xi32, #tpu.memory_space<vmem>>
      %dma_wait3A_200 = arith.constant 0 : i32
      %dma_wait3A_201 = arith.constant 0 : i32
      %dma_wait3A_202 = tpu.memref_slice %arg2[%dma_wait3A_200, %dma_wait3A_201] : memref<10112x128xf32, #tpu.memory_space<hbm>> -> memref<10112x128xf32, #tpu.memory_space<hbm>>
      tpu.wait_indirect_dma semaphore(%arg17 : memref<!tpu.dma_semaphore, #tpu.memory_space<semaphore_mem>>) src(%dma_wait3A_202 : memref<10112x128xf32, #tpu.memory_space<hbm>>) dst(%arg12 : memref<80x128xf32, #tpu.memory_space<vmem>>)
      "tpu.region"() ({
        %run_scoped3A_210 = tpu.sem_alloc : memref<!tpu.dma_semaphore, #tpu.memory_space<semaphore_mem>>
        %dma_start3A_211 = arith.constant 0 : i32
        %dma_start3A_212 = tpu.memref_slice %arg8[%add3A_196, %dma_start3A_211] : memref<32x80xi32, #tpu.memory_space<vmem>> -> memref<1x80xi32, #tpu.memory_space<vmem>>
        %dma_start3A_213 = tpu.memref_squeeze %dma_start3A_212 : memref<1x80xi32, #tpu.memory_space<vmem>> -> memref<80xi32, #tpu.memory_space<vmem>>
        %dma_start3A_214 = arith.constant 0 : i32
        %dma_start3A_215 = arith.constant 0 : i32
        %dma_start3A_216 = tpu.memref_slice %arg13[%dma_start3A_214, %dma_start3A_215] : memref<10112x128xf32, #tpu.memory_space<vmem_shared>> -> memref<10112x128xf32, #tpu.memory_space<vmem_shared>>
        tpu.enqueue_indirect_dma source(%arg12 : memref<80x128xf32, #tpu.memory_space<vmem>>) target(%dma_start3A_216 : memref<10112x128xf32, #tpu.memory_space<vmem_shared>>) offsets(%dma_start3A_213 : memref<80xi32, #tpu.memory_space<vmem>>) semaphore(%run_scoped3A_210 : memref<!tpu.dma_semaphore, #tpu.memory_space<semaphore_mem>>) {add = true}
        %dma_wait3A_217 = arith.constant 0 : i32
        %dma_wait3A_218 = tpu.memref_slice %arg8[%add3A_196, %dma_wait3A_217] : memref<32x80xi32, #tpu.memory_space<vmem>> -> memref<1x80xi32, #tpu.memory_space<vmem>>
        %dma_wait3A_219 = tpu.memref_squeeze %dma_wait3A_218 : memref<1x80xi32, #tpu.memory_space<vmem>> -> memref<80xi32, #tpu.memory_space<vmem>>
        %dma_wait3A_220 = arith.constant 0 : i32
        %dma_wait3A_221 = arith.constant 0 : i32
        %dma_wait3A_222 = tpu.memref_slice %arg13[%dma_wait3A_220, %dma_wait3A_221] : memref<10112x128xf32, #tpu.memory_space<vmem_shared>> -> memref<10112x128xf32, #tpu.memory_space<vmem_shared>>
        tpu.wait_indirect_dma semaphore(%run_scoped3A_210 : memref<!tpu.dma_semaphore, #tpu.memory_space<semaphore_mem>>) src(%arg12 : memref<80x128xf32, #tpu.memory_space<vmem>>) dst(%dma_wait3A_222 : memref<10112x128xf32, #tpu.memory_space<vmem_shared>>)
        tpu.yield
      }) : () -> ()
      %add3A_203 = arith.constant 4 : i32
      %add3A_204 = arith.addi %add3A_196, %add3A_203 : i32
      %lt3A_205 = arith.constant 32 : i32
      %lt3A_206 = arith.cmpi slt, %add3A_204, %lt3A_205 : i32
      %convert_element_type3A_207 = arith.extui %lt3A_206 : i1 to i32
      %cond3A_208 = arith.constant 0 : i32
      %cond3A_209 = arith.cmpi ne, %convert_element_type3A_207, %cond3A_208 : i32
      scf.if %cond3A_209 {
        %add3A_210 = arith.constant 4 : i32
        %add3A_211 = arith.addi %add3A_196, %add3A_210 : i32
        %dma_start3A_212 = arith.constant 0 : i32
        %dma_start3A_213 = tpu.memref_slice %arg7[%add3A_211, %dma_start3A_212] : memref<32x80xi32, #tpu.memory_space<vmem>> -> memref<1x80xi32, #tpu.memory_space<vmem>>
        %dma_start3A_214 = tpu.memref_squeeze %dma_start3A_213 : memref<1x80xi32, #tpu.memory_space<vmem>> -> memref<80xi32, #tpu.memory_space<vmem>>
        %dma_start3A_215 = arith.constant 0 : i32
        %dma_start3A_216 = arith.constant 0 : i32
        %dma_start3A_217 = tpu.memref_slice %arg2[%dma_start3A_215, %dma_start3A_216] : memref<10112x128xf32, #tpu.memory_space<hbm>> -> memref<10112x128xf32, #tpu.memory_space<hbm>>
        tpu.enqueue_indirect_dma source(%dma_start3A_217 : memref<10112x128xf32, #tpu.memory_space<hbm>>) target(%arg12 : memref<80x128xf32, #tpu.memory_space<vmem>>) offsets(%dma_start3A_214 : memref<80xi32, #tpu.memory_space<vmem>>) semaphore(%arg17 : memref<!tpu.dma_semaphore, #tpu.memory_space<semaphore_mem>>)
      } else {
      }
    }
    %scan3A_37 = arith.constant 8 : i32
    %run_scoped3A_38 = arith.constant 1 : i32
    "tpu.region"() ({
      %run_scoped3A_151 = tpu.sem_alloc : memref<!tpu.dma_semaphore, #tpu.memory_space<semaphore_mem>>
      %dma_start3A_152 = arith.constant 0 : i32
      %dma_start3A_153 = arith.constant 0 : i32
      %dma_start3A_154 = tpu.memref_slice %arg3[%add3A, %run_scoped3A_38, %dma_start3A_152, %dma_start3A_153] : memref<32x4x32x80xi32, #tpu.memory_space<hbm>> -> memref<1x1x32x80xi32, #tpu.memory_space<hbm>>
      %dma_start3A_155 = tpu.memref_squeeze %dma_start3A_154 : memref<1x1x32x80xi32, #tpu.memory_space<hbm>> -> memref<32x80xi32, #tpu.memory_space<hbm>>
      %dma_start3A_156 = arith.constant 0 : i32
      %dma_start3A_157 = arith.constant 0 : i32
      %dma_start3A_158 = tpu.memref_slice %arg3[%add3A, %run_scoped3A_38, %dma_start3A_156, %dma_start3A_157] : memref<32x4x32x80xi32, #tpu.memory_space<hbm>> -> memref<1x1x32x80xi32, #tpu.memory_space<hbm>>
      %dma_start3A_159 = tpu.memref_squeeze %dma_start3A_158 : memref<1x1x32x80xi32, #tpu.memory_space<hbm>> -> memref<32x80xi32, #tpu.memory_space<hbm>>
      tpu.enqueue_dma source(%dma_start3A_159 : memref<32x80xi32, #tpu.memory_space<hbm>>) target(%arg7 : memref<32x80xi32, #tpu.memory_space<vmem>>) target_semaphore(%run_scoped3A_151 : memref<!tpu.dma_semaphore, #tpu.memory_space<semaphore_mem>>)
      %dma_wait3A = arith.constant 0 : i32
      %dma_wait3A_160 = arith.constant 0 : i32
      %dma_wait3A_161 = tpu.memref_slice %arg3[%add3A, %run_scoped3A_38, %dma_wait3A, %dma_wait3A_160] : memref<32x4x32x80xi32, #tpu.memory_space<hbm>> -> memref<1x1x32x80xi32, #tpu.memory_space<hbm>>
      %dma_wait3A_162 = tpu.memref_squeeze %dma_wait3A_161 : memref<1x1x32x80xi32, #tpu.memory_space<hbm>> -> memref<32x80xi32, #tpu.memory_space<hbm>>
      %dma_wait3A_163 = arith.constant 0 : i32
      %dma_wait3A_164 = arith.constant 0 : i32
      %dma_wait3A_165 = tpu.memref_slice %arg3[%add3A, %run_scoped3A_38, %dma_wait3A_163, %dma_wait3A_164] : memref<32x4x32x80xi32, #tpu.memory_space<hbm>> -> memref<1x1x32x80xi32, #tpu.memory_space<hbm>>
      %dma_wait3A_166 = tpu.memref_squeeze %dma_wait3A_165 : memref<1x1x32x80xi32, #tpu.memory_space<hbm>> -> memref<32x80xi32, #tpu.memory_space<hbm>>
      tpu.wait_dma2 semaphore(%run_scoped3A_151 : memref<!tpu.dma_semaphore, #tpu.memory_space<semaphore_mem>>) src(%dma_wait3A_166 : memref<32x80xi32, #tpu.memory_space<hbm>>) dst(%arg7 : memref<32x80xi32, #tpu.memory_space<vmem>>)
      tpu.yield
    }) : () -> ()
    %run_scoped3A_39 = arith.constant 1 : i32
    "tpu.region"() ({
      %run_scoped3A_151 = tpu.sem_alloc : memref<!tpu.dma_semaphore, #tpu.memory_space<semaphore_mem>>
      %dma_start3A_152 = arith.constant 0 : i32
      %dma_start3A_153 = arith.constant 0 : i32
      %dma_start3A_154 = tpu.memref_slice %arg4[%add3A, %run_scoped3A_39, %dma_start3A_152, %dma_start3A_153] : memref<32x4x32x80xi32, #tpu.memory_space<hbm>> -> memref<1x1x32x80xi32, #tpu.memory_space<hbm>>
      %dma_start3A_155 = tpu.memref_squeeze %dma_start3A_154 : memref<1x1x32x80xi32, #tpu.memory_space<hbm>> -> memref<32x80xi32, #tpu.memory_space<hbm>>
      %dma_start3A_156 = arith.constant 0 : i32
      %dma_start3A_157 = arith.constant 0 : i32
      %dma_start3A_158 = tpu.memref_slice %arg4[%add3A, %run_scoped3A_39, %dma_start3A_156, %dma_start3A_157] : memref<32x4x32x80xi32, #tpu.memory_space<hbm>> -> memref<1x1x32x80xi32, #tpu.memory_space<hbm>>
      %dma_start3A_159 = tpu.memref_squeeze %dma_start3A_158 : memref<1x1x32x80xi32, #tpu.memory_space<hbm>> -> memref<32x80xi32, #tpu.memory_space<hbm>>
      tpu.enqueue_dma source(%dma_start3A_159 : memref<32x80xi32, #tpu.memory_space<hbm>>) target(%arg8 : memref<32x80xi32, #tpu.memory_space<vmem>>) target_semaphore(%run_scoped3A_151 : memref<!tpu.dma_semaphore, #tpu.memory_space<semaphore_mem>>)
      %dma_wait3A = arith.constant 0 : i32
      %dma_wait3A_160 = arith.constant 0 : i32
      %dma_wait3A_161 = tpu.memref_slice %arg4[%add3A, %run_scoped3A_39, %dma_wait3A, %dma_wait3A_160] : memref<32x4x32x80xi32, #tpu.memory_space<hbm>> -> memref<1x1x32x80xi32, #tpu.memory_space<hbm>>
      %dma_wait3A_162 = tpu.memref_squeeze %dma_wait3A_161 : memref<1x1x32x80xi32, #tpu.memory_space<hbm>> -> memref<32x80xi32, #tpu.memory_space<hbm>>
      %dma_wait3A_163 = arith.constant 0 : i32
      %dma_wait3A_164 = arith.constant 0 : i32
      %dma_wait3A_165 = tpu.memref_slice %arg4[%add3A, %run_scoped3A_39, %dma_wait3A_163, %dma_wait3A_164] : memref<32x4x32x80xi32, #tpu.memory_space<hbm>> -> memref<1x1x32x80xi32, #tpu.memory_space<hbm>>
      %dma_wait3A_166 = tpu.memref_squeeze %dma_wait3A_165 : memref<1x1x32x80xi32, #tpu.memory_space<hbm>> -> memref<32x80xi32, #tpu.memory_space<hbm>>
      tpu.wait_dma2 semaphore(%run_scoped3A_151 : memref<!tpu.dma_semaphore, #tpu.memory_space<semaphore_mem>>) src(%dma_wait3A_166 : memref<32x80xi32, #tpu.memory_space<hbm>>) dst(%arg8 : memref<32x80xi32, #tpu.memory_space<vmem>>)
      tpu.yield
    }) : () -> ()
    %dma_start3A_40 = arith.constant 0 : i32
    %dma_start3A_41 = arith.constant 0 : i32
    %dma_start3A_42 = tpu.memref_slice %arg7[%dma_start3A_40, %dma_start3A_41] : memref<32x80xi32, #tpu.memory_space<vmem>> -> memref<1x80xi32, #tpu.memory_space<vmem>>
    %dma_start3A_43 = tpu.memref_squeeze %dma_start3A_42 : memref<1x80xi32, #tpu.memory_space<vmem>> -> memref<80xi32, #tpu.memory_space<vmem>>
    %dma_start3A_44 = arith.constant 0 : i32
    %dma_start3A_45 = arith.constant 0 : i32
    %dma_start3A_46 = tpu.memref_slice %arg2[%dma_start3A_44, %dma_start3A_45] : memref<10112x128xf32, #tpu.memory_space<hbm>> -> memref<10112x128xf32, #tpu.memory_space<hbm>>
    tpu.enqueue_indirect_dma source(%dma_start3A_46 : memref<10112x128xf32, #tpu.memory_space<hbm>>) target(%arg9 : memref<80x128xf32, #tpu.memory_space<vmem>>) offsets(%dma_start3A_43 : memref<80xi32, #tpu.memory_space<vmem>>) semaphore(%arg14 : memref<!tpu.dma_semaphore, #tpu.memory_space<semaphore_mem>>)
    %dma_start3A_47 = arith.constant 1 : i32
    %dma_start3A_48 = arith.constant 0 : i32
    %dma_start3A_49 = tpu.memref_slice %arg7[%dma_start3A_47, %dma_start3A_48] : memref<32x80xi32, #tpu.memory_space<vmem>> -> memref<1x80xi32, #tpu.memory_space<vmem>>
    %dma_start3A_50 = tpu.memref_squeeze %dma_start3A_49 : memref<1x80xi32, #tpu.memory_space<vmem>> -> memref<80xi32, #tpu.memory_space<vmem>>
    %dma_start3A_51 = arith.constant 0 : i32
    %dma_start3A_52 = arith.constant 0 : i32
    %dma_start3A_53 = tpu.memref_slice %arg2[%dma_start3A_51, %dma_start3A_52] : memref<10112x128xf32, #tpu.memory_space<hbm>> -> memref<10112x128xf32, #tpu.memory_space<hbm>>
    tpu.enqueue_indirect_dma source(%dma_start3A_53 : memref<10112x128xf32, #tpu.memory_space<hbm>>) target(%arg10 : memref<80x128xf32, #tpu.memory_space<vmem>>) offsets(%dma_start3A_50 : memref<80xi32, #tpu.memory_space<vmem>>) semaphore(%arg15 : memref<!tpu.dma_semaphore, #tpu.memory_space<semaphore_mem>>)
    %dma_start3A_54 = arith.constant 2 : i32
    %dma_start3A_55 = arith.constant 0 : i32
    %dma_start3A_56 = tpu.memref_slice %arg7[%dma_start3A_54, %dma_start3A_55] : memref<32x80xi32, #tpu.memory_space<vmem>> -> memref<1x80xi32, #tpu.memory_space<vmem>>
    %dma_start3A_57 = tpu.memref_squeeze %dma_start3A_56 : memref<1x80xi32, #tpu.memory_space<vmem>> -> memref<80xi32, #tpu.memory_space<vmem>>
    %dma_start3A_58 = arith.constant 0 : i32
    %dma_start3A_59 = arith.constant 0 : i32
    %dma_start3A_60 = tpu.memref_slice %arg2[%dma_start3A_58, %dma_start3A_59] : memref<10112x128xf32, #tpu.memory_space<hbm>> -> memref<10112x128xf32, #tpu.memory_space<hbm>>
    tpu.enqueue_indirect_dma source(%dma_start3A_60 : memref<10112x128xf32, #tpu.memory_space<hbm>>) target(%arg11 : memref<80x128xf32, #tpu.memory_space<vmem>>) offsets(%dma_start3A_57 : memref<80xi32, #tpu.memory_space<vmem>>) semaphore(%arg16 : memref<!tpu.dma_semaphore, #tpu.memory_space<semaphore_mem>>)
    %dma_start3A_61 = arith.constant 3 : i32
    %dma_start3A_62 = arith.constant 0 : i32
    %dma_start3A_63 = tpu.memref_slice %arg7[%dma_start3A_61, %dma_start3A_62] : memref<32x80xi32, #tpu.memory_space<vmem>> -> memref<1x80xi32, #tpu.memory_space<vmem>>
    %dma_start3A_64 = tpu.memref_squeeze %dma_start3A_63 : memref<1x80xi32, #tpu.memory_space<vmem>> -> memref<80xi32, #tpu.memory_space<vmem>>
    %dma_start3A_65 = arith.constant 0 : i32
    %dma_start3A_66 = arith.constant 0 : i32
    %dma_start3A_67 = tpu.memref_slice %arg2[%dma_start3A_65, %dma_start3A_66] : memref<10112x128xf32, #tpu.memory_space<hbm>> -> memref<10112x128xf32, #tpu.memory_space<hbm>>
    tpu.enqueue_indirect_dma source(%dma_start3A_67 : memref<10112x128xf32, #tpu.memory_space<hbm>>) target(%arg12 : memref<80x128xf32, #tpu.memory_space<vmem>>) offsets(%dma_start3A_64 : memref<80xi32, #tpu.memory_space<vmem>>) semaphore(%arg17 : memref<!tpu.dma_semaphore, #tpu.memory_space<semaphore_mem>>)
    %scan3A_68 = arith.constant 0 : i32
    %scan3A_69 = arith.constant 0 : i32
    %scan3A_70 = arith.constant 8 : i32
    %scan3A_71 = arith.addi %scan3A_69, %scan3A_70 : i32
    %scan3A_72 = arith.constant 1 : i32
    scf.for %scan3A_151 = %scan3A_69 to %scan3A_71 step %scan3A_72  : i32 {
      %mul3A_152 = arith.constant 4 : i32
      %mul3A_153 = arith.muli %scan3A_151, %mul3A_152 : i32
      %add3A_154 = arith.constant 0 : i32
      %add3A_155 = arith.addi %mul3A_153, %add3A_154 : i32
      %dma_wait3A = arith.constant 0 : i32
      %dma_wait3A_156 = tpu.memref_slice %arg7[%add3A_155, %dma_wait3A] : memref<32x80xi32, #tpu.memory_space<vmem>> -> memref<1x80xi32, #tpu.memory_space<vmem>>
      %dma_wait3A_157 = tpu.memref_squeeze %dma_wait3A_156 : memref<1x80xi32, #tpu.memory_space<vmem>> -> memref<80xi32, #tpu.memory_space<vmem>>
      %dma_wait3A_158 = arith.constant 0 : i32
      %dma_wait3A_159 = arith.constant 0 : i32
      %dma_wait3A_160 = tpu.memref_slice %arg2[%dma_wait3A_158, %dma_wait3A_159] : memref<10112x128xf32, #tpu.memory_space<hbm>> -> memref<10112x128xf32, #tpu.memory_space<hbm>>
      tpu.wait_indirect_dma semaphore(%arg14 : memref<!tpu.dma_semaphore, #tpu.memory_space<semaphore_mem>>) src(%dma_wait3A_160 : memref<10112x128xf32, #tpu.memory_space<hbm>>) dst(%arg9 : memref<80x128xf32, #tpu.memory_space<vmem>>)
      "tpu.region"() ({
        %run_scoped3A_210 = tpu.sem_alloc : memref<!tpu.dma_semaphore, #tpu.memory_space<semaphore_mem>>
        %dma_start3A_211 = arith.constant 0 : i32
        %dma_start3A_212 = tpu.memref_slice %arg8[%add3A_155, %dma_start3A_211] : memref<32x80xi32, #tpu.memory_space<vmem>> -> memref<1x80xi32, #tpu.memory_space<vmem>>
        %dma_start3A_213 = tpu.memref_squeeze %dma_start3A_212 : memref<1x80xi32, #tpu.memory_space<vmem>> -> memref<80xi32, #tpu.memory_space<vmem>>
        %dma_start3A_214 = arith.constant 0 : i32
        %dma_start3A_215 = arith.constant 0 : i32
        %dma_start3A_216 = tpu.memref_slice %arg13[%dma_start3A_214, %dma_start3A_215] : memref<10112x128xf32, #tpu.memory_space<vmem_shared>> -> memref<10112x128xf32, #tpu.memory_space<vmem_shared>>
        tpu.enqueue_indirect_dma source(%arg9 : memref<80x128xf32, #tpu.memory_space<vmem>>) target(%dma_start3A_216 : memref<10112x128xf32, #tpu.memory_space<vmem_shared>>) offsets(%dma_start3A_213 : memref<80xi32, #tpu.memory_space<vmem>>) semaphore(%run_scoped3A_210 : memref<!tpu.dma_semaphore, #tpu.memory_space<semaphore_mem>>) {add = true}
        %dma_wait3A_217 = arith.constant 0 : i32
        %dma_wait3A_218 = tpu.memref_slice %arg8[%add3A_155, %dma_wait3A_217] : memref<32x80xi32, #tpu.memory_space<vmem>> -> memref<1x80xi32, #tpu.memory_space<vmem>>
        %dma_wait3A_219 = tpu.memref_squeeze %dma_wait3A_218 : memref<1x80xi32, #tpu.memory_space<vmem>> -> memref<80xi32, #tpu.memory_space<vmem>>
        %dma_wait3A_220 = arith.constant 0 : i32
        %dma_wait3A_221 = arith.constant 0 : i32
        %dma_wait3A_222 = tpu.memref_slice %arg13[%dma_wait3A_220, %dma_wait3A_221] : memref<10112x128xf32, #tpu.memory_space<vmem_shared>> -> memref<10112x128xf32, #tpu.memory_space<vmem_shared>>
        tpu.wait_indirect_dma semaphore(%run_scoped3A_210 : memref<!tpu.dma_semaphore, #tpu.memory_space<semaphore_mem>>) src(%arg9 : memref<80x128xf32, #tpu.memory_space<vmem>>) dst(%dma_wait3A_222 : memref<10112x128xf32, #tpu.memory_space<vmem_shared>>)
        tpu.yield
      }) : () -> ()
      %add3A_161 = arith.constant 4 : i32
      %add3A_162 = arith.addi %add3A_155, %add3A_161 : i32
      %lt3A = arith.constant 32 : i32
      %lt3A_163 = arith.cmpi slt, %add3A_162, %lt3A : i32
      %convert_element_type3A = arith.extui %lt3A_163 : i1 to i32
      %cond3A = arith.constant 0 : i32
      %cond3A_164 = arith.cmpi ne, %convert_element_type3A, %cond3A : i32
      scf.if %cond3A_164 {
        %add3A_210 = arith.constant 4 : i32
        %add3A_211 = arith.addi %add3A_155, %add3A_210 : i32
        %dma_start3A_212 = arith.constant 0 : i32
        %dma_start3A_213 = tpu.memref_slice %arg7[%add3A_211, %dma_start3A_212] : memref<32x80xi32, #tpu.memory_space<vmem>> -> memref<1x80xi32, #tpu.memory_space<vmem>>
        %dma_start3A_214 = tpu.memref_squeeze %dma_start3A_213 : memref<1x80xi32, #tpu.memory_space<vmem>> -> memref<80xi32, #tpu.memory_space<vmem>>
        %dma_start3A_215 = arith.constant 0 : i32
        %dma_start3A_216 = arith.constant 0 : i32
        %dma_start3A_217 = tpu.memref_slice %arg2[%dma_start3A_215, %dma_start3A_216] : memref<10112x128xf32, #tpu.memory_space<hbm>> -> memref<10112x128xf32, #tpu.memory_space<hbm>>
        tpu.enqueue_indirect_dma source(%dma_start3A_217 : memref<10112x128xf32, #tpu.memory_space<hbm>>) target(%arg9 : memref<80x128xf32, #tpu.memory_space<vmem>>) offsets(%dma_start3A_214 : memref<80xi32, #tpu.memory_space<vmem>>) semaphore(%arg14 : memref<!tpu.dma_semaphore, #tpu.memory_space<semaphore_mem>>)
      } else {
      }
      %add3A_165 = arith.constant 1 : i32
      %add3A_166 = arith.addi %mul3A_153, %add3A_165 : i32
      %dma_wait3A_167 = arith.constant 0 : i32
      %dma_wait3A_168 = tpu.memref_slice %arg7[%add3A_166, %dma_wait3A_167] : memref<32x80xi32, #tpu.memory_space<vmem>> -> memref<1x80xi32, #tpu.memory_space<vmem>>
      %dma_wait3A_169 = tpu.memref_squeeze %dma_wait3A_168 : memref<1x80xi32, #tpu.memory_space<vmem>> -> memref<80xi32, #tpu.memory_space<vmem>>
      %dma_wait3A_170 = arith.constant 0 : i32
      %dma_wait3A_171 = arith.constant 0 : i32
      %dma_wait3A_172 = tpu.memref_slice %arg2[%dma_wait3A_170, %dma_wait3A_171] : memref<10112x128xf32, #tpu.memory_space<hbm>> -> memref<10112x128xf32, #tpu.memory_space<hbm>>
      tpu.wait_indirect_dma semaphore(%arg15 : memref<!tpu.dma_semaphore, #tpu.memory_space<semaphore_mem>>) src(%dma_wait3A_172 : memref<10112x128xf32, #tpu.memory_space<hbm>>) dst(%arg10 : memref<80x128xf32, #tpu.memory_space<vmem>>)
      "tpu.region"() ({
        %run_scoped3A_210 = tpu.sem_alloc : memref<!tpu.dma_semaphore, #tpu.memory_space<semaphore_mem>>
        %dma_start3A_211 = arith.constant 0 : i32
        %dma_start3A_212 = tpu.memref_slice %arg8[%add3A_166, %dma_start3A_211] : memref<32x80xi32, #tpu.memory_space<vmem>> -> memref<1x80xi32, #tpu.memory_space<vmem>>
        %dma_start3A_213 = tpu.memref_squeeze %dma_start3A_212 : memref<1x80xi32, #tpu.memory_space<vmem>> -> memref<80xi32, #tpu.memory_space<vmem>>
        %dma_start3A_214 = arith.constant 0 : i32
        %dma_start3A_215 = arith.constant 0 : i32
        %dma_start3A_216 = tpu.memref_slice %arg13[%dma_start3A_214, %dma_start3A_215] : memref<10112x128xf32, #tpu.memory_space<vmem_shared>> -> memref<10112x128xf32, #tpu.memory_space<vmem_shared>>
        tpu.enqueue_indirect_dma source(%arg10 : memref<80x128xf32, #tpu.memory_space<vmem>>) target(%dma_start3A_216 : memref<10112x128xf32, #tpu.memory_space<vmem_shared>>) offsets(%dma_start3A_213 : memref<80xi32, #tpu.memory_space<vmem>>) semaphore(%run_scoped3A_210 : memref<!tpu.dma_semaphore, #tpu.memory_space<semaphore_mem>>) {add = true}
        %dma_wait3A_217 = arith.constant 0 : i32
        %dma_wait3A_218 = tpu.memref_slice %arg8[%add3A_166, %dma_wait3A_217] : memref<32x80xi32, #tpu.memory_space<vmem>> -> memref<1x80xi32, #tpu.memory_space<vmem>>
        %dma_wait3A_219 = tpu.memref_squeeze %dma_wait3A_218 : memref<1x80xi32, #tpu.memory_space<vmem>> -> memref<80xi32, #tpu.memory_space<vmem>>
        %dma_wait3A_220 = arith.constant 0 : i32
        %dma_wait3A_221 = arith.constant 0 : i32
        %dma_wait3A_222 = tpu.memref_slice %arg13[%dma_wait3A_220, %dma_wait3A_221] : memref<10112x128xf32, #tpu.memory_space<vmem_shared>> -> memref<10112x128xf32, #tpu.memory_space<vmem_shared>>
        tpu.wait_indirect_dma semaphore(%run_scoped3A_210 : memref<!tpu.dma_semaphore, #tpu.memory_space<semaphore_mem>>) src(%arg10 : memref<80x128xf32, #tpu.memory_space<vmem>>) dst(%dma_wait3A_222 : memref<10112x128xf32, #tpu.memory_space<vmem_shared>>)
        tpu.yield
      }) : () -> ()
      %add3A_173 = arith.constant 4 : i32
      %add3A_174 = arith.addi %add3A_166, %add3A_173 : i32
      %lt3A_175 = arith.constant 32 : i32
      %lt3A_176 = arith.cmpi slt, %add3A_174, %lt3A_175 : i32
      %convert_element_type3A_177 = arith.extui %lt3A_176 : i1 to i32
      %cond3A_178 = arith.constant 0 : i32
      %cond3A_179 = arith.cmpi ne, %convert_element_type3A_177, %cond3A_178 : i32
      scf.if %cond3A_179 {
        %add3A_210 = arith.constant 4 : i32
        %add3A_211 = arith.addi %add3A_166, %add3A_210 : i32
        %dma_start3A_212 = arith.constant 0 : i32
        %dma_start3A_213 = tpu.memref_slice %arg7[%add3A_211, %dma_start3A_212] : memref<32x80xi32, #tpu.memory_space<vmem>> -> memref<1x80xi32, #tpu.memory_space<vmem>>
        %dma_start3A_214 = tpu.memref_squeeze %dma_start3A_213 : memref<1x80xi32, #tpu.memory_space<vmem>> -> memref<80xi32, #tpu.memory_space<vmem>>
        %dma_start3A_215 = arith.constant 0 : i32
        %dma_start3A_216 = arith.constant 0 : i32
        %dma_start3A_217 = tpu.memref_slice %arg2[%dma_start3A_215, %dma_start3A_216] : memref<10112x128xf32, #tpu.memory_space<hbm>> -> memref<10112x128xf32, #tpu.memory_space<hbm>>
        tpu.enqueue_indirect_dma source(%dma_start3A_217 : memref<10112x128xf32, #tpu.memory_space<hbm>>) target(%arg10 : memref<80x128xf32, #tpu.memory_space<vmem>>) offsets(%dma_start3A_214 : memref<80xi32, #tpu.memory_space<vmem>>) semaphore(%arg15 : memref<!tpu.dma_semaphore, #tpu.memory_space<semaphore_mem>>)
      } else {
      }
      %add3A_180 = arith.constant 2 : i32
      %add3A_181 = arith.addi %mul3A_153, %add3A_180 : i32
      %dma_wait3A_182 = arith.constant 0 : i32
      %dma_wait3A_183 = tpu.memref_slice %arg7[%add3A_181, %dma_wait3A_182] : memref<32x80xi32, #tpu.memory_space<vmem>> -> memref<1x80xi32, #tpu.memory_space<vmem>>
      %dma_wait3A_184 = tpu.memref_squeeze %dma_wait3A_183 : memref<1x80xi32, #tpu.memory_space<vmem>> -> memref<80xi32, #tpu.memory_space<vmem>>
      %dma_wait3A_185 = arith.constant 0 : i32
      %dma_wait3A_186 = arith.constant 0 : i32
      %dma_wait3A_187 = tpu.memref_slice %arg2[%dma_wait3A_185, %dma_wait3A_186] : memref<10112x128xf32, #tpu.memory_space<hbm>> -> memref<10112x128xf32, #tpu.memory_space<hbm>>
      tpu.wait_indirect_dma semaphore(%arg16 : memref<!tpu.dma_semaphore, #tpu.memory_space<semaphore_mem>>) src(%dma_wait3A_187 : memref<10112x128xf32, #tpu.memory_space<hbm>>) dst(%arg11 : memref<80x128xf32, #tpu.memory_space<vmem>>)
      "tpu.region"() ({
        %run_scoped3A_210 = tpu.sem_alloc : memref<!tpu.dma_semaphore, #tpu.memory_space<semaphore_mem>>
        %dma_start3A_211 = arith.constant 0 : i32
        %dma_start3A_212 = tpu.memref_slice %arg8[%add3A_181, %dma_start3A_211] : memref<32x80xi32, #tpu.memory_space<vmem>> -> memref<1x80xi32, #tpu.memory_space<vmem>>
        %dma_start3A_213 = tpu.memref_squeeze %dma_start3A_212 : memref<1x80xi32, #tpu.memory_space<vmem>> -> memref<80xi32, #tpu.memory_space<vmem>>
        %dma_start3A_214 = arith.constant 0 : i32
        %dma_start3A_215 = arith.constant 0 : i32
        %dma_start3A_216 = tpu.memref_slice %arg13[%dma_start3A_214, %dma_start3A_215] : memref<10112x128xf32, #tpu.memory_space<vmem_shared>> -> memref<10112x128xf32, #tpu.memory_space<vmem_shared>>
        tpu.enqueue_indirect_dma source(%arg11 : memref<80x128xf32, #tpu.memory_space<vmem>>) target(%dma_start3A_216 : memref<10112x128xf32, #tpu.memory_space<vmem_shared>>) offsets(%dma_start3A_213 : memref<80xi32, #tpu.memory_space<vmem>>) semaphore(%run_scoped3A_210 : memref<!tpu.dma_semaphore, #tpu.memory_space<semaphore_mem>>) {add = true}
        %dma_wait3A_217 = arith.constant 0 : i32
        %dma_wait3A_218 = tpu.memref_slice %arg8[%add3A_181, %dma_wait3A_217] : memref<32x80xi32, #tpu.memory_space<vmem>> -> memref<1x80xi32, #tpu.memory_space<vmem>>
        %dma_wait3A_219 = tpu.memref_squeeze %dma_wait3A_218 : memref<1x80xi32, #tpu.memory_space<vmem>> -> memref<80xi32, #tpu.memory_space<vmem>>
        %dma_wait3A_220 = arith.constant 0 : i32
        %dma_wait3A_221 = arith.constant 0 : i32
        %dma_wait3A_222 = tpu.memref_slice %arg13[%dma_wait3A_220, %dma_wait3A_221] : memref<10112x128xf32, #tpu.memory_space<vmem_shared>> -> memref<10112x128xf32, #tpu.memory_space<vmem_shared>>
        tpu.wait_indirect_dma semaphore(%run_scoped3A_210 : memref<!tpu.dma_semaphore, #tpu.memory_space<semaphore_mem>>) src(%arg11 : memref<80x128xf32, #tpu.memory_space<vmem>>) dst(%dma_wait3A_222 : memref<10112x128xf32, #tpu.memory_space<vmem_shared>>)
        tpu.yield
      }) : () -> ()
      %add3A_188 = arith.constant 4 : i32
      %add3A_189 = arith.addi %add3A_181, %add3A_188 : i32
      %lt3A_190 = arith.constant 32 : i32
      %lt3A_191 = arith.cmpi slt, %add3A_189, %lt3A_190 : i32
      %convert_element_type3A_192 = arith.extui %lt3A_191 : i1 to i32
      %cond3A_193 = arith.constant 0 : i32
      %cond3A_194 = arith.cmpi ne, %convert_element_type3A_192, %cond3A_193 : i32
      scf.if %cond3A_194 {
        %add3A_210 = arith.constant 4 : i32
        %add3A_211 = arith.addi %add3A_181, %add3A_210 : i32
        %dma_start3A_212 = arith.constant 0 : i32
        %dma_start3A_213 = tpu.memref_slice %arg7[%add3A_211, %dma_start3A_212] : memref<32x80xi32, #tpu.memory_space<vmem>> -> memref<1x80xi32, #tpu.memory_space<vmem>>
        %dma_start3A_214 = tpu.memref_squeeze %dma_start3A_213 : memref<1x80xi32, #tpu.memory_space<vmem>> -> memref<80xi32, #tpu.memory_space<vmem>>
        %dma_start3A_215 = arith.constant 0 : i32
        %dma_start3A_216 = arith.constant 0 : i32
        %dma_start3A_217 = tpu.memref_slice %arg2[%dma_start3A_215, %dma_start3A_216] : memref<10112x128xf32, #tpu.memory_space<hbm>> -> memref<10112x128xf32, #tpu.memory_space<hbm>>
        tpu.enqueue_indirect_dma source(%dma_start3A_217 : memref<10112x128xf32, #tpu.memory_space<hbm>>) target(%arg11 : memref<80x128xf32, #tpu.memory_space<vmem>>) offsets(%dma_start3A_214 : memref<80xi32, #tpu.memory_space<vmem>>) semaphore(%arg16 : memref<!tpu.dma_semaphore, #tpu.memory_space<semaphore_mem>>)
      } else {
      }
      %add3A_195 = arith.constant 3 : i32
      %add3A_196 = arith.addi %mul3A_153, %add3A_195 : i32
      %dma_wait3A_197 = arith.constant 0 : i32
      %dma_wait3A_198 = tpu.memref_slice %arg7[%add3A_196, %dma_wait3A_197] : memref<32x80xi32, #tpu.memory_space<vmem>> -> memref<1x80xi32, #tpu.memory_space<vmem>>
      %dma_wait3A_199 = tpu.memref_squeeze %dma_wait3A_198 : memref<1x80xi32, #tpu.memory_space<vmem>> -> memref<80xi32, #tpu.memory_space<vmem>>
      %dma_wait3A_200 = arith.constant 0 : i32
      %dma_wait3A_201 = arith.constant 0 : i32
      %dma_wait3A_202 = tpu.memref_slice %arg2[%dma_wait3A_200, %dma_wait3A_201] : memref<10112x128xf32, #tpu.memory_space<hbm>> -> memref<10112x128xf32, #tpu.memory_space<hbm>>
      tpu.wait_indirect_dma semaphore(%arg17 : memref<!tpu.dma_semaphore, #tpu.memory_space<semaphore_mem>>) src(%dma_wait3A_202 : memref<10112x128xf32, #tpu.memory_space<hbm>>) dst(%arg12 : memref<80x128xf32, #tpu.memory_space<vmem>>)
      "tpu.region"() ({
        %run_scoped3A_210 = tpu.sem_alloc : memref<!tpu.dma_semaphore, #tpu.memory_space<semaphore_mem>>
        %dma_start3A_211 = arith.constant 0 : i32
        %dma_start3A_212 = tpu.memref_slice %arg8[%add3A_196, %dma_start3A_211] : memref<32x80xi32, #tpu.memory_space<vmem>> -> memref<1x80xi32, #tpu.memory_space<vmem>>
        %dma_start3A_213 = tpu.memref_squeeze %dma_start3A_212 : memref<1x80xi32, #tpu.memory_space<vmem>> -> memref<80xi32, #tpu.memory_space<vmem>>
        %dma_start3A_214 = arith.constant 0 : i32
        %dma_start3A_215 = arith.constant 0 : i32
        %dma_start3A_216 = tpu.memref_slice %arg13[%dma_start3A_214, %dma_start3A_215] : memref<10112x128xf32, #tpu.memory_space<vmem_shared>> -> memref<10112x128xf32, #tpu.memory_space<vmem_shared>>
        tpu.enqueue_indirect_dma source(%arg12 : memref<80x128xf32, #tpu.memory_space<vmem>>) target(%dma_start3A_216 : memref<10112x128xf32, #tpu.memory_space<vmem_shared>>) offsets(%dma_start3A_213 : memref<80xi32, #tpu.memory_space<vmem>>) semaphore(%run_scoped3A_210 : memref<!tpu.dma_semaphore, #tpu.memory_space<semaphore_mem>>) {add = true}
        %dma_wait3A_217 = arith.constant 0 : i32
        %dma_wait3A_218 = tpu.memref_slice %arg8[%add3A_196, %dma_wait3A_217] : memref<32x80xi32, #tpu.memory_space<vmem>> -> memref<1x80xi32, #tpu.memory_space<vmem>>
        %dma_wait3A_219 = tpu.memref_squeeze %dma_wait3A_218 : memref<1x80xi32, #tpu.memory_space<vmem>> -> memref<80xi32, #tpu.memory_space<vmem>>
        %dma_wait3A_220 = arith.constant 0 : i32
        %dma_wait3A_221 = arith.constant 0 : i32
        %dma_wait3A_222 = tpu.memref_slice %arg13[%dma_wait3A_220, %dma_wait3A_221] : memref<10112x128xf32, #tpu.memory_space<vmem_shared>> -> memref<10112x128xf32, #tpu.memory_space<vmem_shared>>
        tpu.wait_indirect_dma semaphore(%run_scoped3A_210 : memref<!tpu.dma_semaphore, #tpu.memory_space<semaphore_mem>>) src(%arg12 : memref<80x128xf32, #tpu.memory_space<vmem>>) dst(%dma_wait3A_222 : memref<10112x128xf32, #tpu.memory_space<vmem_shared>>)
        tpu.yield
      }) : () -> ()
      %add3A_203 = arith.constant 4 : i32
      %add3A_204 = arith.addi %add3A_196, %add3A_203 : i32
      %lt3A_205 = arith.constant 32 : i32
      %lt3A_206 = arith.cmpi slt, %add3A_204, %lt3A_205 : i32
      %convert_element_type3A_207 = arith.extui %lt3A_206 : i1 to i32
      %cond3A_208 = arith.constant 0 : i32
      %cond3A_209 = arith.cmpi ne, %convert_element_type3A_207, %cond3A_208 : i32
      scf.if %cond3A_209 {
        %add3A_210 = arith.constant 4 : i32
        %add3A_211 = arith.addi %add3A_196, %add3A_210 : i32
        %dma_start3A_212 = arith.constant 0 : i32
        %dma_start3A_213 = tpu.memref_slice %arg7[%add3A_211, %dma_start3A_212] : memref<32x80xi32, #tpu.memory_space<vmem>> -> memref<1x80xi32, #tpu.memory_space<vmem>>
        %dma_start3A_214 = tpu.memref_squeeze %dma_start3A_213 : memref<1x80xi32, #tpu.memory_space<vmem>> -> memref<80xi32, #tpu.memory_space<vmem>>
        %dma_start3A_215 = arith.constant 0 : i32
        %dma_start3A_216 = arith.constant 0 : i32
        %dma_start3A_217 = tpu.memref_slice %arg2[%dma_start3A_215, %dma_start3A_216] : memref<10112x128xf32, #tpu.memory_space<hbm>> -> memref<10112x128xf32, #tpu.memory_space<hbm>>
        tpu.enqueue_indirect_dma source(%dma_start3A_217 : memref<10112x128xf32, #tpu.memory_space<hbm>>) target(%arg12 : memref<80x128xf32, #tpu.memory_space<vmem>>) offsets(%dma_start3A_214 : memref<80xi32, #tpu.memory_space<vmem>>) semaphore(%arg17 : memref<!tpu.dma_semaphore, #tpu.memory_space<semaphore_mem>>)
      } else {
      }
    }
    %scan3A_73 = arith.constant 8 : i32
    %run_scoped3A_74 = arith.constant 2 : i32
    "tpu.region"() ({
      %run_scoped3A_151 = tpu.sem_alloc : memref<!tpu.dma_semaphore, #tpu.memory_space<semaphore_mem>>
      %dma_start3A_152 = arith.constant 0 : i32
      %dma_start3A_153 = arith.constant 0 : i32
      %dma_start3A_154 = tpu.memref_slice %arg3[%add3A, %run_scoped3A_74, %dma_start3A_152, %dma_start3A_153] : memref<32x4x32x80xi32, #tpu.memory_space<hbm>> -> memref<1x1x32x80xi32, #tpu.memory_space<hbm>>
      %dma_start3A_155 = tpu.memref_squeeze %dma_start3A_154 : memref<1x1x32x80xi32, #tpu.memory_space<hbm>> -> memref<32x80xi32, #tpu.memory_space<hbm>>
      %dma_start3A_156 = arith.constant 0 : i32
      %dma_start3A_157 = arith.constant 0 : i32
      %dma_start3A_158 = tpu.memref_slice %arg3[%add3A, %run_scoped3A_74, %dma_start3A_156, %dma_start3A_157] : memref<32x4x32x80xi32, #tpu.memory_space<hbm>> -> memref<1x1x32x80xi32, #tpu.memory_space<hbm>>
      %dma_start3A_159 = tpu.memref_squeeze %dma_start3A_158 : memref<1x1x32x80xi32, #tpu.memory_space<hbm>> -> memref<32x80xi32, #tpu.memory_space<hbm>>
      tpu.enqueue_dma source(%dma_start3A_159 : memref<32x80xi32, #tpu.memory_space<hbm>>) target(%arg7 : memref<32x80xi32, #tpu.memory_space<vmem>>) target_semaphore(%run_scoped3A_151 : memref<!tpu.dma_semaphore, #tpu.memory_space<semaphore_mem>>)
      %dma_wait3A = arith.constant 0 : i32
      %dma_wait3A_160 = arith.constant 0 : i32
      %dma_wait3A_161 = tpu.memref_slice %arg3[%add3A, %run_scoped3A_74, %dma_wait3A, %dma_wait3A_160] : memref<32x4x32x80xi32, #tpu.memory_space<hbm>> -> memref<1x1x32x80xi32, #tpu.memory_space<hbm>>
      %dma_wait3A_162 = tpu.memref_squeeze %dma_wait3A_161 : memref<1x1x32x80xi32, #tpu.memory_space<hbm>> -> memref<32x80xi32, #tpu.memory_space<hbm>>
      %dma_wait3A_163 = arith.constant 0 : i32
      %dma_wait3A_164 = arith.constant 0 : i32
      %dma_wait3A_165 = tpu.memref_slice %arg3[%add3A, %run_scoped3A_74, %dma_wait3A_163, %dma_wait3A_164] : memref<32x4x32x80xi32, #tpu.memory_space<hbm>> -> memref<1x1x32x80xi32, #tpu.memory_space<hbm>>
      %dma_wait3A_166 = tpu.memref_squeeze %dma_wait3A_165 : memref<1x1x32x80xi32, #tpu.memory_space<hbm>> -> memref<32x80xi32, #tpu.memory_space<hbm>>
      tpu.wait_dma2 semaphore(%run_scoped3A_151 : memref<!tpu.dma_semaphore, #tpu.memory_space<semaphore_mem>>) src(%dma_wait3A_166 : memref<32x80xi32, #tpu.memory_space<hbm>>) dst(%arg7 : memref<32x80xi32, #tpu.memory_space<vmem>>)
      tpu.yield
    }) : () -> ()
    %run_scoped3A_75 = arith.constant 2 : i32
    "tpu.region"() ({
      %run_scoped3A_151 = tpu.sem_alloc : memref<!tpu.dma_semaphore, #tpu.memory_space<semaphore_mem>>
      %dma_start3A_152 = arith.constant 0 : i32
      %dma_start3A_153 = arith.constant 0 : i32
      %dma_start3A_154 = tpu.memref_slice %arg4[%add3A, %run_scoped3A_75, %dma_start3A_152, %dma_start3A_153] : memref<32x4x32x80xi32, #tpu.memory_space<hbm>> -> memref<1x1x32x80xi32, #tpu.memory_space<hbm>>
      %dma_start3A_155 = tpu.memref_squeeze %dma_start3A_154 : memref<1x1x32x80xi32, #tpu.memory_space<hbm>> -> memref<32x80xi32, #tpu.memory_space<hbm>>
      %dma_start3A_156 = arith.constant 0 : i32
      %dma_start3A_157 = arith.constant 0 : i32
      %dma_start3A_158 = tpu.memref_slice %arg4[%add3A, %run_scoped3A_75, %dma_start3A_156, %dma_start3A_157] : memref<32x4x32x80xi32, #tpu.memory_space<hbm>> -> memref<1x1x32x80xi32, #tpu.memory_space<hbm>>
      %dma_start3A_159 = tpu.memref_squeeze %dma_start3A_158 : memref<1x1x32x80xi32, #tpu.memory_space<hbm>> -> memref<32x80xi32, #tpu.memory_space<hbm>>
      tpu.enqueue_dma source(%dma_start3A_159 : memref<32x80xi32, #tpu.memory_space<hbm>>) target(%arg8 : memref<32x80xi32, #tpu.memory_space<vmem>>) target_semaphore(%run_scoped3A_151 : memref<!tpu.dma_semaphore, #tpu.memory_space<semaphore_mem>>)
      %dma_wait3A = arith.constant 0 : i32
      %dma_wait3A_160 = arith.constant 0 : i32
      %dma_wait3A_161 = tpu.memref_slice %arg4[%add3A, %run_scoped3A_75, %dma_wait3A, %dma_wait3A_160] : memref<32x4x32x80xi32, #tpu.memory_space<hbm>> -> memref<1x1x32x80xi32, #tpu.memory_space<hbm>>
      %dma_wait3A_162 = tpu.memref_squeeze %dma_wait3A_161 : memref<1x1x32x80xi32, #tpu.memory_space<hbm>> -> memref<32x80xi32, #tpu.memory_space<hbm>>
      %dma_wait3A_163 = arith.constant 0 : i32
      %dma_wait3A_164 = arith.constant 0 : i32
      %dma_wait3A_165 = tpu.memref_slice %arg4[%add3A, %run_scoped3A_75, %dma_wait3A_163, %dma_wait3A_164] : memref<32x4x32x80xi32, #tpu.memory_space<hbm>> -> memref<1x1x32x80xi32, #tpu.memory_space<hbm>>
      %dma_wait3A_166 = tpu.memref_squeeze %dma_wait3A_165 : memref<1x1x32x80xi32, #tpu.memory_space<hbm>> -> memref<32x80xi32, #tpu.memory_space<hbm>>
      tpu.wait_dma2 semaphore(%run_scoped3A_151 : memref<!tpu.dma_semaphore, #tpu.memory_space<semaphore_mem>>) src(%dma_wait3A_166 : memref<32x80xi32, #tpu.memory_space<hbm>>) dst(%arg8 : memref<32x80xi32, #tpu.memory_space<vmem>>)
      tpu.yield
    }) : () -> ()
    %dma_start3A_76 = arith.constant 0 : i32
    %dma_start3A_77 = arith.constant 0 : i32
    %dma_start3A_78 = tpu.memref_slice %arg7[%dma_start3A_76, %dma_start3A_77] : memref<32x80xi32, #tpu.memory_space<vmem>> -> memref<1x80xi32, #tpu.memory_space<vmem>>
    %dma_start3A_79 = tpu.memref_squeeze %dma_start3A_78 : memref<1x80xi32, #tpu.memory_space<vmem>> -> memref<80xi32, #tpu.memory_space<vmem>>
    %dma_start3A_80 = arith.constant 0 : i32
    %dma_start3A_81 = arith.constant 0 : i32
    %dma_start3A_82 = tpu.memref_slice %arg2[%dma_start3A_80, %dma_start3A_81] : memref<10112x128xf32, #tpu.memory_space<hbm>> -> memref<10112x128xf32, #tpu.memory_space<hbm>>
    tpu.enqueue_indirect_dma source(%dma_start3A_82 : memref<10112x128xf32, #tpu.memory_space<hbm>>) target(%arg9 : memref<80x128xf32, #tpu.memory_space<vmem>>) offsets(%dma_start3A_79 : memref<80xi32, #tpu.memory_space<vmem>>) semaphore(%arg14 : memref<!tpu.dma_semaphore, #tpu.memory_space<semaphore_mem>>)
    %dma_start3A_83 = arith.constant 1 : i32
    %dma_start3A_84 = arith.constant 0 : i32
    %dma_start3A_85 = tpu.memref_slice %arg7[%dma_start3A_83, %dma_start3A_84] : memref<32x80xi32, #tpu.memory_space<vmem>> -> memref<1x80xi32, #tpu.memory_space<vmem>>
    %dma_start3A_86 = tpu.memref_squeeze %dma_start3A_85 : memref<1x80xi32, #tpu.memory_space<vmem>> -> memref<80xi32, #tpu.memory_space<vmem>>
    %dma_start3A_87 = arith.constant 0 : i32
    %dma_start3A_88 = arith.constant 0 : i32
    %dma_start3A_89 = tpu.memref_slice %arg2[%dma_start3A_87, %dma_start3A_88] : memref<10112x128xf32, #tpu.memory_space<hbm>> -> memref<10112x128xf32, #tpu.memory_space<hbm>>
    tpu.enqueue_indirect_dma source(%dma_start3A_89 : memref<10112x128xf32, #tpu.memory_space<hbm>>) target(%arg10 : memref<80x128xf32, #tpu.memory_space<vmem>>) offsets(%dma_start3A_86 : memref<80xi32, #tpu.memory_space<vmem>>) semaphore(%arg15 : memref<!tpu.dma_semaphore, #tpu.memory_space<semaphore_mem>>)
    %dma_start3A_90 = arith.constant 2 : i32
    %dma_start3A_91 = arith.constant 0 : i32
    %dma_start3A_92 = tpu.memref_slice %arg7[%dma_start3A_90, %dma_start3A_91] : memref<32x80xi32, #tpu.memory_space<vmem>> -> memref<1x80xi32, #tpu.memory_space<vmem>>
    %dma_start3A_93 = tpu.memref_squeeze %dma_start3A_92 : memref<1x80xi32, #tpu.memory_space<vmem>> -> memref<80xi32, #tpu.memory_space<vmem>>
    %dma_start3A_94 = arith.constant 0 : i32
    %dma_start3A_95 = arith.constant 0 : i32
    %dma_start3A_96 = tpu.memref_slice %arg2[%dma_start3A_94, %dma_start3A_95] : memref<10112x128xf32, #tpu.memory_space<hbm>> -> memref<10112x128xf32, #tpu.memory_space<hbm>>
    tpu.enqueue_indirect_dma source(%dma_start3A_96 : memref<10112x128xf32, #tpu.memory_space<hbm>>) target(%arg11 : memref<80x128xf32, #tpu.memory_space<vmem>>) offsets(%dma_start3A_93 : memref<80xi32, #tpu.memory_space<vmem>>) semaphore(%arg16 : memref<!tpu.dma_semaphore, #tpu.memory_space<semaphore_mem>>)
    %dma_start3A_97 = arith.constant 3 : i32
    %dma_start3A_98 = arith.constant 0 : i32
    %dma_start3A_99 = tpu.memref_slice %arg7[%dma_start3A_97, %dma_start3A_98] : memref<32x80xi32, #tpu.memory_space<vmem>> -> memref<1x80xi32, #tpu.memory_space<vmem>>
    %dma_start3A_100 = tpu.memref_squeeze %dma_start3A_99 : memref<1x80xi32, #tpu.memory_space<vmem>> -> memref<80xi32, #tpu.memory_space<vmem>>
    %dma_start3A_101 = arith.constant 0 : i32
    %dma_start3A_102 = arith.constant 0 : i32
    %dma_start3A_103 = tpu.memref_slice %arg2[%dma_start3A_101, %dma_start3A_102] : memref<10112x128xf32, #tpu.memory_space<hbm>> -> memref<10112x128xf32, #tpu.memory_space<hbm>>
    tpu.enqueue_indirect_dma source(%dma_start3A_103 : memref<10112x128xf32, #tpu.memory_space<hbm>>) target(%arg12 : memref<80x128xf32, #tpu.memory_space<vmem>>) offsets(%dma_start3A_100 : memref<80xi32, #tpu.memory_space<vmem>>) semaphore(%arg17 : memref<!tpu.dma_semaphore, #tpu.memory_space<semaphore_mem>>)
    %scan3A_104 = arith.constant 0 : i32
    %scan3A_105 = arith.constant 0 : i32
    %scan3A_106 = arith.constant 8 : i32
    %scan3A_107 = arith.addi %scan3A_105, %scan3A_106 : i32
    %scan3A_108 = arith.constant 1 : i32
    scf.for %scan3A_151 = %scan3A_105 to %scan3A_107 step %scan3A_108  : i32 {
      %mul3A_152 = arith.constant 4 : i32
      %mul3A_153 = arith.muli %scan3A_151, %mul3A_152 : i32
      %add3A_154 = arith.constant 0 : i32
      %add3A_155 = arith.addi %mul3A_153, %add3A_154 : i32
      %dma_wait3A = arith.constant 0 : i32
      %dma_wait3A_156 = tpu.memref_slice %arg7[%add3A_155, %dma_wait3A] : memref<32x80xi32, #tpu.memory_space<vmem>> -> memref<1x80xi32, #tpu.memory_space<vmem>>
      %dma_wait3A_157 = tpu.memref_squeeze %dma_wait3A_156 : memref<1x80xi32, #tpu.memory_space<vmem>> -> memref<80xi32, #tpu.memory_space<vmem>>
      %dma_wait3A_158 = arith.constant 0 : i32
      %dma_wait3A_159 = arith.constant 0 : i32
      %dma_wait3A_160 = tpu.memref_slice %arg2[%dma_wait3A_158, %dma_wait3A_159] : memref<10112x128xf32, #tpu.memory_space<hbm>> -> memref<10112x128xf32, #tpu.memory_space<hbm>>
      tpu.wait_indirect_dma semaphore(%arg14 : memref<!tpu.dma_semaphore, #tpu.memory_space<semaphore_mem>>) src(%dma_wait3A_160 : memref<10112x128xf32, #tpu.memory_space<hbm>>) dst(%arg9 : memref<80x128xf32, #tpu.memory_space<vmem>>)
      "tpu.region"() ({
        %run_scoped3A_210 = tpu.sem_alloc : memref<!tpu.dma_semaphore, #tpu.memory_space<semaphore_mem>>
        %dma_start3A_211 = arith.constant 0 : i32
        %dma_start3A_212 = tpu.memref_slice %arg8[%add3A_155, %dma_start3A_211] : memref<32x80xi32, #tpu.memory_space<vmem>> -> memref<1x80xi32, #tpu.memory_space<vmem>>
        %dma_start3A_213 = tpu.memref_squeeze %dma_start3A_212 : memref<1x80xi32, #tpu.memory_space<vmem>> -> memref<80xi32, #tpu.memory_space<vmem>>
        %dma_start3A_214 = arith.constant 0 : i32
        %dma_start3A_215 = arith.constant 0 : i32
        %dma_start3A_216 = tpu.memref_slice %arg13[%dma_start3A_214, %dma_start3A_215] : memref<10112x128xf32, #tpu.memory_space<vmem_shared>> -> memref<10112x128xf32, #tpu.memory_space<vmem_shared>>
        tpu.enqueue_indirect_dma source(%arg9 : memref<80x128xf32, #tpu.memory_space<vmem>>) target(%dma_start3A_216 : memref<10112x128xf32, #tpu.memory_space<vmem_shared>>) offsets(%dma_start3A_213 : memref<80xi32, #tpu.memory_space<vmem>>) semaphore(%run_scoped3A_210 : memref<!tpu.dma_semaphore, #tpu.memory_space<semaphore_mem>>) {add = true}
        %dma_wait3A_217 = arith.constant 0 : i32
        %dma_wait3A_218 = tpu.memref_slice %arg8[%add3A_155, %dma_wait3A_217] : memref<32x80xi32, #tpu.memory_space<vmem>> -> memref<1x80xi32, #tpu.memory_space<vmem>>
        %dma_wait3A_219 = tpu.memref_squeeze %dma_wait3A_218 : memref<1x80xi32, #tpu.memory_space<vmem>> -> memref<80xi32, #tpu.memory_space<vmem>>
        %dma_wait3A_220 = arith.constant 0 : i32
        %dma_wait3A_221 = arith.constant 0 : i32
        %dma_wait3A_222 = tpu.memref_slice %arg13[%dma_wait3A_220, %dma_wait3A_221] : memref<10112x128xf32, #tpu.memory_space<vmem_shared>> -> memref<10112x128xf32, #tpu.memory_space<vmem_shared>>
        tpu.wait_indirect_dma semaphore(%run_scoped3A_210 : memref<!tpu.dma_semaphore, #tpu.memory_space<semaphore_mem>>) src(%arg9 : memref<80x128xf32, #tpu.memory_space<vmem>>) dst(%dma_wait3A_222 : memref<10112x128xf32, #tpu.memory_space<vmem_shared>>)
        tpu.yield
      }) : () -> ()
      %add3A_161 = arith.constant 4 : i32
      %add3A_162 = arith.addi %add3A_155, %add3A_161 : i32
      %lt3A = arith.constant 32 : i32
      %lt3A_163 = arith.cmpi slt, %add3A_162, %lt3A : i32
      %convert_element_type3A = arith.extui %lt3A_163 : i1 to i32
      %cond3A = arith.constant 0 : i32
      %cond3A_164 = arith.cmpi ne, %convert_element_type3A, %cond3A : i32
      scf.if %cond3A_164 {
        %add3A_210 = arith.constant 4 : i32
        %add3A_211 = arith.addi %add3A_155, %add3A_210 : i32
        %dma_start3A_212 = arith.constant 0 : i32
        %dma_start3A_213 = tpu.memref_slice %arg7[%add3A_211, %dma_start3A_212] : memref<32x80xi32, #tpu.memory_space<vmem>> -> memref<1x80xi32, #tpu.memory_space<vmem>>
        %dma_start3A_214 = tpu.memref_squeeze %dma_start3A_213 : memref<1x80xi32, #tpu.memory_space<vmem>> -> memref<80xi32, #tpu.memory_space<vmem>>
        %dma_start3A_215 = arith.constant 0 : i32
        %dma_start3A_216 = arith.constant 0 : i32
        %dma_start3A_217 = tpu.memref_slice %arg2[%dma_start3A_215, %dma_start3A_216] : memref<10112x128xf32, #tpu.memory_space<hbm>> -> memref<10112x128xf32, #tpu.memory_space<hbm>>
        tpu.enqueue_indirect_dma source(%dma_start3A_217 : memref<10112x128xf32, #tpu.memory_space<hbm>>) target(%arg9 : memref<80x128xf32, #tpu.memory_space<vmem>>) offsets(%dma_start3A_214 : memref<80xi32, #tpu.memory_space<vmem>>) semaphore(%arg14 : memref<!tpu.dma_semaphore, #tpu.memory_space<semaphore_mem>>)
      } else {
      }
      %add3A_165 = arith.constant 1 : i32
      %add3A_166 = arith.addi %mul3A_153, %add3A_165 : i32
      %dma_wait3A_167 = arith.constant 0 : i32
      %dma_wait3A_168 = tpu.memref_slice %arg7[%add3A_166, %dma_wait3A_167] : memref<32x80xi32, #tpu.memory_space<vmem>> -> memref<1x80xi32, #tpu.memory_space<vmem>>
      %dma_wait3A_169 = tpu.memref_squeeze %dma_wait3A_168 : memref<1x80xi32, #tpu.memory_space<vmem>> -> memref<80xi32, #tpu.memory_space<vmem>>
      %dma_wait3A_170 = arith.constant 0 : i32
      %dma_wait3A_171 = arith.constant 0 : i32
      %dma_wait3A_172 = tpu.memref_slice %arg2[%dma_wait3A_170, %dma_wait3A_171] : memref<10112x128xf32, #tpu.memory_space<hbm>> -> memref<10112x128xf32, #tpu.memory_space<hbm>>
      tpu.wait_indirect_dma semaphore(%arg15 : memref<!tpu.dma_semaphore, #tpu.memory_space<semaphore_mem>>) src(%dma_wait3A_172 : memref<10112x128xf32, #tpu.memory_space<hbm>>) dst(%arg10 : memref<80x128xf32, #tpu.memory_space<vmem>>)
      "tpu.region"() ({
        %run_scoped3A_210 = tpu.sem_alloc : memref<!tpu.dma_semaphore, #tpu.memory_space<semaphore_mem>>
        %dma_start3A_211 = arith.constant 0 : i32
        %dma_start3A_212 = tpu.memref_slice %arg8[%add3A_166, %dma_start3A_211] : memref<32x80xi32, #tpu.memory_space<vmem>> -> memref<1x80xi32, #tpu.memory_space<vmem>>
        %dma_start3A_213 = tpu.memref_squeeze %dma_start3A_212 : memref<1x80xi32, #tpu.memory_space<vmem>> -> memref<80xi32, #tpu.memory_space<vmem>>
        %dma_start3A_214 = arith.constant 0 : i32
        %dma_start3A_215 = arith.constant 0 : i32
        %dma_start3A_216 = tpu.memref_slice %arg13[%dma_start3A_214, %dma_start3A_215] : memref<10112x128xf32, #tpu.memory_space<vmem_shared>> -> memref<10112x128xf32, #tpu.memory_space<vmem_shared>>
        tpu.enqueue_indirect_dma source(%arg10 : memref<80x128xf32, #tpu.memory_space<vmem>>) target(%dma_start3A_216 : memref<10112x128xf32, #tpu.memory_space<vmem_shared>>) offsets(%dma_start3A_213 : memref<80xi32, #tpu.memory_space<vmem>>) semaphore(%run_scoped3A_210 : memref<!tpu.dma_semaphore, #tpu.memory_space<semaphore_mem>>) {add = true}
        %dma_wait3A_217 = arith.constant 0 : i32
        %dma_wait3A_218 = tpu.memref_slice %arg8[%add3A_166, %dma_wait3A_217] : memref<32x80xi32, #tpu.memory_space<vmem>> -> memref<1x80xi32, #tpu.memory_space<vmem>>
        %dma_wait3A_219 = tpu.memref_squeeze %dma_wait3A_218 : memref<1x80xi32, #tpu.memory_space<vmem>> -> memref<80xi32, #tpu.memory_space<vmem>>
        %dma_wait3A_220 = arith.constant 0 : i32
        %dma_wait3A_221 = arith.constant 0 : i32
        %dma_wait3A_222 = tpu.memref_slice %arg13[%dma_wait3A_220, %dma_wait3A_221] : memref<10112x128xf32, #tpu.memory_space<vmem_shared>> -> memref<10112x128xf32, #tpu.memory_space<vmem_shared>>
        tpu.wait_indirect_dma semaphore(%run_scoped3A_210 : memref<!tpu.dma_semaphore, #tpu.memory_space<semaphore_mem>>) src(%arg10 : memref<80x128xf32, #tpu.memory_space<vmem>>) dst(%dma_wait3A_222 : memref<10112x128xf32, #tpu.memory_space<vmem_shared>>)
        tpu.yield
      }) : () -> ()
      %add3A_173 = arith.constant 4 : i32
      %add3A_174 = arith.addi %add3A_166, %add3A_173 : i32
      %lt3A_175 = arith.constant 32 : i32
      %lt3A_176 = arith.cmpi slt, %add3A_174, %lt3A_175 : i32
      %convert_element_type3A_177 = arith.extui %lt3A_176 : i1 to i32
      %cond3A_178 = arith.constant 0 : i32
      %cond3A_179 = arith.cmpi ne, %convert_element_type3A_177, %cond3A_178 : i32
      scf.if %cond3A_179 {
        %add3A_210 = arith.constant 4 : i32
        %add3A_211 = arith.addi %add3A_166, %add3A_210 : i32
        %dma_start3A_212 = arith.constant 0 : i32
        %dma_start3A_213 = tpu.memref_slice %arg7[%add3A_211, %dma_start3A_212] : memref<32x80xi32, #tpu.memory_space<vmem>> -> memref<1x80xi32, #tpu.memory_space<vmem>>
        %dma_start3A_214 = tpu.memref_squeeze %dma_start3A_213 : memref<1x80xi32, #tpu.memory_space<vmem>> -> memref<80xi32, #tpu.memory_space<vmem>>
        %dma_start3A_215 = arith.constant 0 : i32
        %dma_start3A_216 = arith.constant 0 : i32
        %dma_start3A_217 = tpu.memref_slice %arg2[%dma_start3A_215, %dma_start3A_216] : memref<10112x128xf32, #tpu.memory_space<hbm>> -> memref<10112x128xf32, #tpu.memory_space<hbm>>
        tpu.enqueue_indirect_dma source(%dma_start3A_217 : memref<10112x128xf32, #tpu.memory_space<hbm>>) target(%arg10 : memref<80x128xf32, #tpu.memory_space<vmem>>) offsets(%dma_start3A_214 : memref<80xi32, #tpu.memory_space<vmem>>) semaphore(%arg15 : memref<!tpu.dma_semaphore, #tpu.memory_space<semaphore_mem>>)
      } else {
      }
      %add3A_180 = arith.constant 2 : i32
      %add3A_181 = arith.addi %mul3A_153, %add3A_180 : i32
      %dma_wait3A_182 = arith.constant 0 : i32
      %dma_wait3A_183 = tpu.memref_slice %arg7[%add3A_181, %dma_wait3A_182] : memref<32x80xi32, #tpu.memory_space<vmem>> -> memref<1x80xi32, #tpu.memory_space<vmem>>
      %dma_wait3A_184 = tpu.memref_squeeze %dma_wait3A_183 : memref<1x80xi32, #tpu.memory_space<vmem>> -> memref<80xi32, #tpu.memory_space<vmem>>
      %dma_wait3A_185 = arith.constant 0 : i32
      %dma_wait3A_186 = arith.constant 0 : i32
      %dma_wait3A_187 = tpu.memref_slice %arg2[%dma_wait3A_185, %dma_wait3A_186] : memref<10112x128xf32, #tpu.memory_space<hbm>> -> memref<10112x128xf32, #tpu.memory_space<hbm>>
      tpu.wait_indirect_dma semaphore(%arg16 : memref<!tpu.dma_semaphore, #tpu.memory_space<semaphore_mem>>) src(%dma_wait3A_187 : memref<10112x128xf32, #tpu.memory_space<hbm>>) dst(%arg11 : memref<80x128xf32, #tpu.memory_space<vmem>>)
      "tpu.region"() ({
        %run_scoped3A_210 = tpu.sem_alloc : memref<!tpu.dma_semaphore, #tpu.memory_space<semaphore_mem>>
        %dma_start3A_211 = arith.constant 0 : i32
        %dma_start3A_212 = tpu.memref_slice %arg8[%add3A_181, %dma_start3A_211] : memref<32x80xi32, #tpu.memory_space<vmem>> -> memref<1x80xi32, #tpu.memory_space<vmem>>
        %dma_start3A_213 = tpu.memref_squeeze %dma_start3A_212 : memref<1x80xi32, #tpu.memory_space<vmem>> -> memref<80xi32, #tpu.memory_space<vmem>>
        %dma_start3A_214 = arith.constant 0 : i32
        %dma_start3A_215 = arith.constant 0 : i32
        %dma_start3A_216 = tpu.memref_slice %arg13[%dma_start3A_214, %dma_start3A_215] : memref<10112x128xf32, #tpu.memory_space<vmem_shared>> -> memref<10112x128xf32, #tpu.memory_space<vmem_shared>>
        tpu.enqueue_indirect_dma source(%arg11 : memref<80x128xf32, #tpu.memory_space<vmem>>) target(%dma_start3A_216 : memref<10112x128xf32, #tpu.memory_space<vmem_shared>>) offsets(%dma_start3A_213 : memref<80xi32, #tpu.memory_space<vmem>>) semaphore(%run_scoped3A_210 : memref<!tpu.dma_semaphore, #tpu.memory_space<semaphore_mem>>) {add = true}
        %dma_wait3A_217 = arith.constant 0 : i32
        %dma_wait3A_218 = tpu.memref_slice %arg8[%add3A_181, %dma_wait3A_217] : memref<32x80xi32, #tpu.memory_space<vmem>> -> memref<1x80xi32, #tpu.memory_space<vmem>>
        %dma_wait3A_219 = tpu.memref_squeeze %dma_wait3A_218 : memref<1x80xi32, #tpu.memory_space<vmem>> -> memref<80xi32, #tpu.memory_space<vmem>>
        %dma_wait3A_220 = arith.constant 0 : i32
        %dma_wait3A_221 = arith.constant 0 : i32
        %dma_wait3A_222 = tpu.memref_slice %arg13[%dma_wait3A_220, %dma_wait3A_221] : memref<10112x128xf32, #tpu.memory_space<vmem_shared>> -> memref<10112x128xf32, #tpu.memory_space<vmem_shared>>
        tpu.wait_indirect_dma semaphore(%run_scoped3A_210 : memref<!tpu.dma_semaphore, #tpu.memory_space<semaphore_mem>>) src(%arg11 : memref<80x128xf32, #tpu.memory_space<vmem>>) dst(%dma_wait3A_222 : memref<10112x128xf32, #tpu.memory_space<vmem_shared>>)
        tpu.yield
      }) : () -> ()
      %add3A_188 = arith.constant 4 : i32
      %add3A_189 = arith.addi %add3A_181, %add3A_188 : i32
      %lt3A_190 = arith.constant 32 : i32
      %lt3A_191 = arith.cmpi slt, %add3A_189, %lt3A_190 : i32
      %convert_element_type3A_192 = arith.extui %lt3A_191 : i1 to i32
      %cond3A_193 = arith.constant 0 : i32
      %cond3A_194 = arith.cmpi ne, %convert_element_type3A_192, %cond3A_193 : i32
      scf.if %cond3A_194 {
        %add3A_210 = arith.constant 4 : i32
        %add3A_211 = arith.addi %add3A_181, %add3A_210 : i32
        %dma_start3A_212 = arith.constant 0 : i32
        %dma_start3A_213 = tpu.memref_slice %arg7[%add3A_211, %dma_start3A_212] : memref<32x80xi32, #tpu.memory_space<vmem>> -> memref<1x80xi32, #tpu.memory_space<vmem>>
        %dma_start3A_214 = tpu.memref_squeeze %dma_start3A_213 : memref<1x80xi32, #tpu.memory_space<vmem>> -> memref<80xi32, #tpu.memory_space<vmem>>
        %dma_start3A_215 = arith.constant 0 : i32
        %dma_start3A_216 = arith.constant 0 : i32
        %dma_start3A_217 = tpu.memref_slice %arg2[%dma_start3A_215, %dma_start3A_216] : memref<10112x128xf32, #tpu.memory_space<hbm>> -> memref<10112x128xf32, #tpu.memory_space<hbm>>
        tpu.enqueue_indirect_dma source(%dma_start3A_217 : memref<10112x128xf32, #tpu.memory_space<hbm>>) target(%arg11 : memref<80x128xf32, #tpu.memory_space<vmem>>) offsets(%dma_start3A_214 : memref<80xi32, #tpu.memory_space<vmem>>) semaphore(%arg16 : memref<!tpu.dma_semaphore, #tpu.memory_space<semaphore_mem>>)
      } else {
      }
      %add3A_195 = arith.constant 3 : i32
      %add3A_196 = arith.addi %mul3A_153, %add3A_195 : i32
      %dma_wait3A_197 = arith.constant 0 : i32
      %dma_wait3A_198 = tpu.memref_slice %arg7[%add3A_196, %dma_wait3A_197] : memref<32x80xi32, #tpu.memory_space<vmem>> -> memref<1x80xi32, #tpu.memory_space<vmem>>
      %dma_wait3A_199 = tpu.memref_squeeze %dma_wait3A_198 : memref<1x80xi32, #tpu.memory_space<vmem>> -> memref<80xi32, #tpu.memory_space<vmem>>
      %dma_wait3A_200 = arith.constant 0 : i32
      %dma_wait3A_201 = arith.constant 0 : i32
      %dma_wait3A_202 = tpu.memref_slice %arg2[%dma_wait3A_200, %dma_wait3A_201] : memref<10112x128xf32, #tpu.memory_space<hbm>> -> memref<10112x128xf32, #tpu.memory_space<hbm>>
      tpu.wait_indirect_dma semaphore(%arg17 : memref<!tpu.dma_semaphore, #tpu.memory_space<semaphore_mem>>) src(%dma_wait3A_202 : memref<10112x128xf32, #tpu.memory_space<hbm>>) dst(%arg12 : memref<80x128xf32, #tpu.memory_space<vmem>>)
      "tpu.region"() ({
        %run_scoped3A_210 = tpu.sem_alloc : memref<!tpu.dma_semaphore, #tpu.memory_space<semaphore_mem>>
        %dma_start3A_211 = arith.constant 0 : i32
        %dma_start3A_212 = tpu.memref_slice %arg8[%add3A_196, %dma_start3A_211] : memref<32x80xi32, #tpu.memory_space<vmem>> -> memref<1x80xi32, #tpu.memory_space<vmem>>
        %dma_start3A_213 = tpu.memref_squeeze %dma_start3A_212 : memref<1x80xi32, #tpu.memory_space<vmem>> -> memref<80xi32, #tpu.memory_space<vmem>>
        %dma_start3A_214 = arith.constant 0 : i32
        %dma_start3A_215 = arith.constant 0 : i32
        %dma_start3A_216 = tpu.memref_slice %arg13[%dma_start3A_214, %dma_start3A_215] : memref<10112x128xf32, #tpu.memory_space<vmem_shared>> -> memref<10112x128xf32, #tpu.memory_space<vmem_shared>>
        tpu.enqueue_indirect_dma source(%arg12 : memref<80x128xf32, #tpu.memory_space<vmem>>) target(%dma_start3A_216 : memref<10112x128xf32, #tpu.memory_space<vmem_shared>>) offsets(%dma_start3A_213 : memref<80xi32, #tpu.memory_space<vmem>>) semaphore(%run_scoped3A_210 : memref<!tpu.dma_semaphore, #tpu.memory_space<semaphore_mem>>) {add = true}
        %dma_wait3A_217 = arith.constant 0 : i32
        %dma_wait3A_218 = tpu.memref_slice %arg8[%add3A_196, %dma_wait3A_217] : memref<32x80xi32, #tpu.memory_space<vmem>> -> memref<1x80xi32, #tpu.memory_space<vmem>>
        %dma_wait3A_219 = tpu.memref_squeeze %dma_wait3A_218 : memref<1x80xi32, #tpu.memory_space<vmem>> -> memref<80xi32, #tpu.memory_space<vmem>>
        %dma_wait3A_220 = arith.constant 0 : i32
        %dma_wait3A_221 = arith.constant 0 : i32
        %dma_wait3A_222 = tpu.memref_slice %arg13[%dma_wait3A_220, %dma_wait3A_221] : memref<10112x128xf32, #tpu.memory_space<vmem_shared>> -> memref<10112x128xf32, #tpu.memory_space<vmem_shared>>
        tpu.wait_indirect_dma semaphore(%run_scoped3A_210 : memref<!tpu.dma_semaphore, #tpu.memory_space<semaphore_mem>>) src(%arg12 : memref<80x128xf32, #tpu.memory_space<vmem>>) dst(%dma_wait3A_222 : memref<10112x128xf32, #tpu.memory_space<vmem_shared>>)
        tpu.yield
      }) : () -> ()
      %add3A_203 = arith.constant 4 : i32
      %add3A_204 = arith.addi %add3A_196, %add3A_203 : i32
      %lt3A_205 = arith.constant 32 : i32
      %lt3A_206 = arith.cmpi slt, %add3A_204, %lt3A_205 : i32
      %convert_element_type3A_207 = arith.extui %lt3A_206 : i1 to i32
      %cond3A_208 = arith.constant 0 : i32
      %cond3A_209 = arith.cmpi ne, %convert_element_type3A_207, %cond3A_208 : i32
      scf.if %cond3A_209 {
        %add3A_210 = arith.constant 4 : i32
        %add3A_211 = arith.addi %add3A_196, %add3A_210 : i32
        %dma_start3A_212 = arith.constant 0 : i32
        %dma_start3A_213 = tpu.memref_slice %arg7[%add3A_211, %dma_start3A_212] : memref<32x80xi32, #tpu.memory_space<vmem>> -> memref<1x80xi32, #tpu.memory_space<vmem>>
        %dma_start3A_214 = tpu.memref_squeeze %dma_start3A_213 : memref<1x80xi32, #tpu.memory_space<vmem>> -> memref<80xi32, #tpu.memory_space<vmem>>
        %dma_start3A_215 = arith.constant 0 : i32
        %dma_start3A_216 = arith.constant 0 : i32
        %dma_start3A_217 = tpu.memref_slice %arg2[%dma_start3A_215, %dma_start3A_216] : memref<10112x128xf32, #tpu.memory_space<hbm>> -> memref<10112x128xf32, #tpu.memory_space<hbm>>
        tpu.enqueue_indirect_dma source(%dma_start3A_217 : memref<10112x128xf32, #tpu.memory_space<hbm>>) target(%arg12 : memref<80x128xf32, #tpu.memory_space<vmem>>) offsets(%dma_start3A_214 : memref<80xi32, #tpu.memory_space<vmem>>) semaphore(%arg17 : memref<!tpu.dma_semaphore, #tpu.memory_space<semaphore_mem>>)
      } else {
      }
    }
    %scan3A_109 = arith.constant 8 : i32
    %run_scoped3A_110 = arith.constant 3 : i32
    "tpu.region"() ({
      %run_scoped3A_151 = tpu.sem_alloc : memref<!tpu.dma_semaphore, #tpu.memory_space<semaphore_mem>>
      %dma_start3A_152 = arith.constant 0 : i32
      %dma_start3A_153 = arith.constant 0 : i32
      %dma_start3A_154 = tpu.memref_slice %arg3[%add3A, %run_scoped3A_110, %dma_start3A_152, %dma_start3A_153] : memref<32x4x32x80xi32, #tpu.memory_space<hbm>> -> memref<1x1x32x80xi32, #tpu.memory_space<hbm>>
      %dma_start3A_155 = tpu.memref_squeeze %dma_start3A_154 : memref<1x1x32x80xi32, #tpu.memory_space<hbm>> -> memref<32x80xi32, #tpu.memory_space<hbm>>
      %dma_start3A_156 = arith.constant 0 : i32
      %dma_start3A_157 = arith.constant 0 : i32
      %dma_start3A_158 = tpu.memref_slice %arg3[%add3A, %run_scoped3A_110, %dma_start3A_156, %dma_start3A_157] : memref<32x4x32x80xi32, #tpu.memory_space<hbm>> -> memref<1x1x32x80xi32, #tpu.memory_space<hbm>>
      %dma_start3A_159 = tpu.memref_squeeze %dma_start3A_158 : memref<1x1x32x80xi32, #tpu.memory_space<hbm>> -> memref<32x80xi32, #tpu.memory_space<hbm>>
      tpu.enqueue_dma source(%dma_start3A_159 : memref<32x80xi32, #tpu.memory_space<hbm>>) target(%arg7 : memref<32x80xi32, #tpu.memory_space<vmem>>) target_semaphore(%run_scoped3A_151 : memref<!tpu.dma_semaphore, #tpu.memory_space<semaphore_mem>>)
      %dma_wait3A = arith.constant 0 : i32
      %dma_wait3A_160 = arith.constant 0 : i32
      %dma_wait3A_161 = tpu.memref_slice %arg3[%add3A, %run_scoped3A_110, %dma_wait3A, %dma_wait3A_160] : memref<32x4x32x80xi32, #tpu.memory_space<hbm>> -> memref<1x1x32x80xi32, #tpu.memory_space<hbm>>
      %dma_wait3A_162 = tpu.memref_squeeze %dma_wait3A_161 : memref<1x1x32x80xi32, #tpu.memory_space<hbm>> -> memref<32x80xi32, #tpu.memory_space<hbm>>
      %dma_wait3A_163 = arith.constant 0 : i32
      %dma_wait3A_164 = arith.constant 0 : i32
      %dma_wait3A_165 = tpu.memref_slice %arg3[%add3A, %run_scoped3A_110, %dma_wait3A_163, %dma_wait3A_164] : memref<32x4x32x80xi32, #tpu.memory_space<hbm>> -> memref<1x1x32x80xi32, #tpu.memory_space<hbm>>
      %dma_wait3A_166 = tpu.memref_squeeze %dma_wait3A_165 : memref<1x1x32x80xi32, #tpu.memory_space<hbm>> -> memref<32x80xi32, #tpu.memory_space<hbm>>
      tpu.wait_dma2 semaphore(%run_scoped3A_151 : memref<!tpu.dma_semaphore, #tpu.memory_space<semaphore_mem>>) src(%dma_wait3A_166 : memref<32x80xi32, #tpu.memory_space<hbm>>) dst(%arg7 : memref<32x80xi32, #tpu.memory_space<vmem>>)
      tpu.yield
    }) : () -> ()
    %run_scoped3A_111 = arith.constant 3 : i32
    "tpu.region"() ({
      %run_scoped3A_151 = tpu.sem_alloc : memref<!tpu.dma_semaphore, #tpu.memory_space<semaphore_mem>>
      %dma_start3A_152 = arith.constant 0 : i32
      %dma_start3A_153 = arith.constant 0 : i32
      %dma_start3A_154 = tpu.memref_slice %arg4[%add3A, %run_scoped3A_111, %dma_start3A_152, %dma_start3A_153] : memref<32x4x32x80xi32, #tpu.memory_space<hbm>> -> memref<1x1x32x80xi32, #tpu.memory_space<hbm>>
      %dma_start3A_155 = tpu.memref_squeeze %dma_start3A_154 : memref<1x1x32x80xi32, #tpu.memory_space<hbm>> -> memref<32x80xi32, #tpu.memory_space<hbm>>
      %dma_start3A_156 = arith.constant 0 : i32
      %dma_start3A_157 = arith.constant 0 : i32
      %dma_start3A_158 = tpu.memref_slice %arg4[%add3A, %run_scoped3A_111, %dma_start3A_156, %dma_start3A_157] : memref<32x4x32x80xi32, #tpu.memory_space<hbm>> -> memref<1x1x32x80xi32, #tpu.memory_space<hbm>>
      %dma_start3A_159 = tpu.memref_squeeze %dma_start3A_158 : memref<1x1x32x80xi32, #tpu.memory_space<hbm>> -> memref<32x80xi32, #tpu.memory_space<hbm>>
      tpu.enqueue_dma source(%dma_start3A_159 : memref<32x80xi32, #tpu.memory_space<hbm>>) target(%arg8 : memref<32x80xi32, #tpu.memory_space<vmem>>) target_semaphore(%run_scoped3A_151 : memref<!tpu.dma_semaphore, #tpu.memory_space<semaphore_mem>>)
      %dma_wait3A = arith.constant 0 : i32
      %dma_wait3A_160 = arith.constant 0 : i32
      %dma_wait3A_161 = tpu.memref_slice %arg4[%add3A, %run_scoped3A_111, %dma_wait3A, %dma_wait3A_160] : memref<32x4x32x80xi32, #tpu.memory_space<hbm>> -> memref<1x1x32x80xi32, #tpu.memory_space<hbm>>
      %dma_wait3A_162 = tpu.memref_squeeze %dma_wait3A_161 : memref<1x1x32x80xi32, #tpu.memory_space<hbm>> -> memref<32x80xi32, #tpu.memory_space<hbm>>
      %dma_wait3A_163 = arith.constant 0 : i32
      %dma_wait3A_164 = arith.constant 0 : i32
      %dma_wait3A_165 = tpu.memref_slice %arg4[%add3A, %run_scoped3A_111, %dma_wait3A_163, %dma_wait3A_164] : memref<32x4x32x80xi32, #tpu.memory_space<hbm>> -> memref<1x1x32x80xi32, #tpu.memory_space<hbm>>
      %dma_wait3A_166 = tpu.memref_squeeze %dma_wait3A_165 : memref<1x1x32x80xi32, #tpu.memory_space<hbm>> -> memref<32x80xi32, #tpu.memory_space<hbm>>
      tpu.wait_dma2 semaphore(%run_scoped3A_151 : memref<!tpu.dma_semaphore, #tpu.memory_space<semaphore_mem>>) src(%dma_wait3A_166 : memref<32x80xi32, #tpu.memory_space<hbm>>) dst(%arg8 : memref<32x80xi32, #tpu.memory_space<vmem>>)
      tpu.yield
    }) : () -> ()
    %dma_start3A_112 = arith.constant 0 : i32
    %dma_start3A_113 = arith.constant 0 : i32
    %dma_start3A_114 = tpu.memref_slice %arg7[%dma_start3A_112, %dma_start3A_113] : memref<32x80xi32, #tpu.memory_space<vmem>> -> memref<1x80xi32, #tpu.memory_space<vmem>>
    %dma_start3A_115 = tpu.memref_squeeze %dma_start3A_114 : memref<1x80xi32, #tpu.memory_space<vmem>> -> memref<80xi32, #tpu.memory_space<vmem>>
    %dma_start3A_116 = arith.constant 0 : i32
    %dma_start3A_117 = arith.constant 0 : i32
    %dma_start3A_118 = tpu.memref_slice %arg2[%dma_start3A_116, %dma_start3A_117] : memref<10112x128xf32, #tpu.memory_space<hbm>> -> memref<10112x128xf32, #tpu.memory_space<hbm>>
    tpu.enqueue_indirect_dma source(%dma_start3A_118 : memref<10112x128xf32, #tpu.memory_space<hbm>>) target(%arg9 : memref<80x128xf32, #tpu.memory_space<vmem>>) offsets(%dma_start3A_115 : memref<80xi32, #tpu.memory_space<vmem>>) semaphore(%arg14 : memref<!tpu.dma_semaphore, #tpu.memory_space<semaphore_mem>>)
    %dma_start3A_119 = arith.constant 1 : i32
    %dma_start3A_120 = arith.constant 0 : i32
    %dma_start3A_121 = tpu.memref_slice %arg7[%dma_start3A_119, %dma_start3A_120] : memref<32x80xi32, #tpu.memory_space<vmem>> -> memref<1x80xi32, #tpu.memory_space<vmem>>
    %dma_start3A_122 = tpu.memref_squeeze %dma_start3A_121 : memref<1x80xi32, #tpu.memory_space<vmem>> -> memref<80xi32, #tpu.memory_space<vmem>>
    %dma_start3A_123 = arith.constant 0 : i32
    %dma_start3A_124 = arith.constant 0 : i32
    %dma_start3A_125 = tpu.memref_slice %arg2[%dma_start3A_123, %dma_start3A_124] : memref<10112x128xf32, #tpu.memory_space<hbm>> -> memref<10112x128xf32, #tpu.memory_space<hbm>>
    tpu.enqueue_indirect_dma source(%dma_start3A_125 : memref<10112x128xf32, #tpu.memory_space<hbm>>) target(%arg10 : memref<80x128xf32, #tpu.memory_space<vmem>>) offsets(%dma_start3A_122 : memref<80xi32, #tpu.memory_space<vmem>>) semaphore(%arg15 : memref<!tpu.dma_semaphore, #tpu.memory_space<semaphore_mem>>)
    %dma_start3A_126 = arith.constant 2 : i32
    %dma_start3A_127 = arith.constant 0 : i32
    %dma_start3A_128 = tpu.memref_slice %arg7[%dma_start3A_126, %dma_start3A_127] : memref<32x80xi32, #tpu.memory_space<vmem>> -> memref<1x80xi32, #tpu.memory_space<vmem>>
    %dma_start3A_129 = tpu.memref_squeeze %dma_start3A_128 : memref<1x80xi32, #tpu.memory_space<vmem>> -> memref<80xi32, #tpu.memory_space<vmem>>
    %dma_start3A_130 = arith.constant 0 : i32
    %dma_start3A_131 = arith.constant 0 : i32
    %dma_start3A_132 = tpu.memref_slice %arg2[%dma_start3A_130, %dma_start3A_131] : memref<10112x128xf32, #tpu.memory_space<hbm>> -> memref<10112x128xf32, #tpu.memory_space<hbm>>
    tpu.enqueue_indirect_dma source(%dma_start3A_132 : memref<10112x128xf32, #tpu.memory_space<hbm>>) target(%arg11 : memref<80x128xf32, #tpu.memory_space<vmem>>) offsets(%dma_start3A_129 : memref<80xi32, #tpu.memory_space<vmem>>) semaphore(%arg16 : memref<!tpu.dma_semaphore, #tpu.memory_space<semaphore_mem>>)
    %dma_start3A_133 = arith.constant 3 : i32
    %dma_start3A_134 = arith.constant 0 : i32
    %dma_start3A_135 = tpu.memref_slice %arg7[%dma_start3A_133, %dma_start3A_134] : memref<32x80xi32, #tpu.memory_space<vmem>> -> memref<1x80xi32, #tpu.memory_space<vmem>>
    %dma_start3A_136 = tpu.memref_squeeze %dma_start3A_135 : memref<1x80xi32, #tpu.memory_space<vmem>> -> memref<80xi32, #tpu.memory_space<vmem>>
    %dma_start3A_137 = arith.constant 0 : i32
    %dma_start3A_138 = arith.constant 0 : i32
    %dma_start3A_139 = tpu.memref_slice %arg2[%dma_start3A_137, %dma_start3A_138] : memref<10112x128xf32, #tpu.memory_space<hbm>> -> memref<10112x128xf32, #tpu.memory_space<hbm>>
    tpu.enqueue_indirect_dma source(%dma_start3A_139 : memref<10112x128xf32, #tpu.memory_space<hbm>>) target(%arg12 : memref<80x128xf32, #tpu.memory_space<vmem>>) offsets(%dma_start3A_136 : memref<80xi32, #tpu.memory_space<vmem>>) semaphore(%arg17 : memref<!tpu.dma_semaphore, #tpu.memory_space<semaphore_mem>>)
    %scan3A_140 = arith.constant 0 : i32
    %scan3A_141 = arith.constant 0 : i32
    %scan3A_142 = arith.constant 8 : i32
    %scan3A_143 = arith.addi %scan3A_141, %scan3A_142 : i32
    %scan3A_144 = arith.constant 1 : i32
    scf.for %scan3A_151 = %scan3A_141 to %scan3A_143 step %scan3A_144  : i32 {
      %mul3A_152 = arith.constant 4 : i32
      %mul3A_153 = arith.muli %scan3A_151, %mul3A_152 : i32
      %add3A_154 = arith.constant 0 : i32
      %add3A_155 = arith.addi %mul3A_153, %add3A_154 : i32
      %dma_wait3A = arith.constant 0 : i32
      %dma_wait3A_156 = tpu.memref_slice %arg7[%add3A_155, %dma_wait3A] : memref<32x80xi32, #tpu.memory_space<vmem>> -> memref<1x80xi32, #tpu.memory_space<vmem>>
      %dma_wait3A_157 = tpu.memref_squeeze %dma_wait3A_156 : memref<1x80xi32, #tpu.memory_space<vmem>> -> memref<80xi32, #tpu.memory_space<vmem>>
      %dma_wait3A_158 = arith.constant 0 : i32
      %dma_wait3A_159 = arith.constant 0 : i32
      %dma_wait3A_160 = tpu.memref_slice %arg2[%dma_wait3A_158, %dma_wait3A_159] : memref<10112x128xf32, #tpu.memory_space<hbm>> -> memref<10112x128xf32, #tpu.memory_space<hbm>>
      tpu.wait_indirect_dma semaphore(%arg14 : memref<!tpu.dma_semaphore, #tpu.memory_space<semaphore_mem>>) src(%dma_wait3A_160 : memref<10112x128xf32, #tpu.memory_space<hbm>>) dst(%arg9 : memref<80x128xf32, #tpu.memory_space<vmem>>)
      "tpu.region"() ({
        %run_scoped3A_210 = tpu.sem_alloc : memref<!tpu.dma_semaphore, #tpu.memory_space<semaphore_mem>>
        %dma_start3A_211 = arith.constant 0 : i32
        %dma_start3A_212 = tpu.memref_slice %arg8[%add3A_155, %dma_start3A_211] : memref<32x80xi32, #tpu.memory_space<vmem>> -> memref<1x80xi32, #tpu.memory_space<vmem>>
        %dma_start3A_213 = tpu.memref_squeeze %dma_start3A_212 : memref<1x80xi32, #tpu.memory_space<vmem>> -> memref<80xi32, #tpu.memory_space<vmem>>
        %dma_start3A_214 = arith.constant 0 : i32
        %dma_start3A_215 = arith.constant 0 : i32
        %dma_start3A_216 = tpu.memref_slice %arg13[%dma_start3A_214, %dma_start3A_215] : memref<10112x128xf32, #tpu.memory_space<vmem_shared>> -> memref<10112x128xf32, #tpu.memory_space<vmem_shared>>
        tpu.enqueue_indirect_dma source(%arg9 : memref<80x128xf32, #tpu.memory_space<vmem>>) target(%dma_start3A_216 : memref<10112x128xf32, #tpu.memory_space<vmem_shared>>) offsets(%dma_start3A_213 : memref<80xi32, #tpu.memory_space<vmem>>) semaphore(%run_scoped3A_210 : memref<!tpu.dma_semaphore, #tpu.memory_space<semaphore_mem>>) {add = true}
        %dma_wait3A_217 = arith.constant 0 : i32
        %dma_wait3A_218 = tpu.memref_slice %arg8[%add3A_155, %dma_wait3A_217] : memref<32x80xi32, #tpu.memory_space<vmem>> -> memref<1x80xi32, #tpu.memory_space<vmem>>
        %dma_wait3A_219 = tpu.memref_squeeze %dma_wait3A_218 : memref<1x80xi32, #tpu.memory_space<vmem>> -> memref<80xi32, #tpu.memory_space<vmem>>
        %dma_wait3A_220 = arith.constant 0 : i32
        %dma_wait3A_221 = arith.constant 0 : i32
        %dma_wait3A_222 = tpu.memref_slice %arg13[%dma_wait3A_220, %dma_wait3A_221] : memref<10112x128xf32, #tpu.memory_space<vmem_shared>> -> memref<10112x128xf32, #tpu.memory_space<vmem_shared>>
        tpu.wait_indirect_dma semaphore(%run_scoped3A_210 : memref<!tpu.dma_semaphore, #tpu.memory_space<semaphore_mem>>) src(%arg9 : memref<80x128xf32, #tpu.memory_space<vmem>>) dst(%dma_wait3A_222 : memref<10112x128xf32, #tpu.memory_space<vmem_shared>>)
        tpu.yield
      }) : () -> ()
      %add3A_161 = arith.constant 4 : i32
      %add3A_162 = arith.addi %add3A_155, %add3A_161 : i32
      %lt3A = arith.constant 32 : i32
      %lt3A_163 = arith.cmpi slt, %add3A_162, %lt3A : i32
      %convert_element_type3A = arith.extui %lt3A_163 : i1 to i32
      %cond3A = arith.constant 0 : i32
      %cond3A_164 = arith.cmpi ne, %convert_element_type3A, %cond3A : i32
      scf.if %cond3A_164 {
        %add3A_210 = arith.constant 4 : i32
        %add3A_211 = arith.addi %add3A_155, %add3A_210 : i32
        %dma_start3A_212 = arith.constant 0 : i32
        %dma_start3A_213 = tpu.memref_slice %arg7[%add3A_211, %dma_start3A_212] : memref<32x80xi32, #tpu.memory_space<vmem>> -> memref<1x80xi32, #tpu.memory_space<vmem>>
        %dma_start3A_214 = tpu.memref_squeeze %dma_start3A_213 : memref<1x80xi32, #tpu.memory_space<vmem>> -> memref<80xi32, #tpu.memory_space<vmem>>
        %dma_start3A_215 = arith.constant 0 : i32
        %dma_start3A_216 = arith.constant 0 : i32
        %dma_start3A_217 = tpu.memref_slice %arg2[%dma_start3A_215, %dma_start3A_216] : memref<10112x128xf32, #tpu.memory_space<hbm>> -> memref<10112x128xf32, #tpu.memory_space<hbm>>
        tpu.enqueue_indirect_dma source(%dma_start3A_217 : memref<10112x128xf32, #tpu.memory_space<hbm>>) target(%arg9 : memref<80x128xf32, #tpu.memory_space<vmem>>) offsets(%dma_start3A_214 : memref<80xi32, #tpu.memory_space<vmem>>) semaphore(%arg14 : memref<!tpu.dma_semaphore, #tpu.memory_space<semaphore_mem>>)
      } else {
      }
      %add3A_165 = arith.constant 1 : i32
      %add3A_166 = arith.addi %mul3A_153, %add3A_165 : i32
      %dma_wait3A_167 = arith.constant 0 : i32
      %dma_wait3A_168 = tpu.memref_slice %arg7[%add3A_166, %dma_wait3A_167] : memref<32x80xi32, #tpu.memory_space<vmem>> -> memref<1x80xi32, #tpu.memory_space<vmem>>
      %dma_wait3A_169 = tpu.memref_squeeze %dma_wait3A_168 : memref<1x80xi32, #tpu.memory_space<vmem>> -> memref<80xi32, #tpu.memory_space<vmem>>
      %dma_wait3A_170 = arith.constant 0 : i32
      %dma_wait3A_171 = arith.constant 0 : i32
      %dma_wait3A_172 = tpu.memref_slice %arg2[%dma_wait3A_170, %dma_wait3A_171] : memref<10112x128xf32, #tpu.memory_space<hbm>> -> memref<10112x128xf32, #tpu.memory_space<hbm>>
      tpu.wait_indirect_dma semaphore(%arg15 : memref<!tpu.dma_semaphore, #tpu.memory_space<semaphore_mem>>) src(%dma_wait3A_172 : memref<10112x128xf32, #tpu.memory_space<hbm>>) dst(%arg10 : memref<80x128xf32, #tpu.memory_space<vmem>>)
      "tpu.region"() ({
        %run_scoped3A_210 = tpu.sem_alloc : memref<!tpu.dma_semaphore, #tpu.memory_space<semaphore_mem>>
        %dma_start3A_211 = arith.constant 0 : i32
        %dma_start3A_212 = tpu.memref_slice %arg8[%add3A_166, %dma_start3A_211] : memref<32x80xi32, #tpu.memory_space<vmem>> -> memref<1x80xi32, #tpu.memory_space<vmem>>
        %dma_start3A_213 = tpu.memref_squeeze %dma_start3A_212 : memref<1x80xi32, #tpu.memory_space<vmem>> -> memref<80xi32, #tpu.memory_space<vmem>>
        %dma_start3A_214 = arith.constant 0 : i32
        %dma_start3A_215 = arith.constant 0 : i32
        %dma_start3A_216 = tpu.memref_slice %arg13[%dma_start3A_214, %dma_start3A_215] : memref<10112x128xf32, #tpu.memory_space<vmem_shared>> -> memref<10112x128xf32, #tpu.memory_space<vmem_shared>>
        tpu.enqueue_indirect_dma source(%arg10 : memref<80x128xf32, #tpu.memory_space<vmem>>) target(%dma_start3A_216 : memref<10112x128xf32, #tpu.memory_space<vmem_shared>>) offsets(%dma_start3A_213 : memref<80xi32, #tpu.memory_space<vmem>>) semaphore(%run_scoped3A_210 : memref<!tpu.dma_semaphore, #tpu.memory_space<semaphore_mem>>) {add = true}
        %dma_wait3A_217 = arith.constant 0 : i32
        %dma_wait3A_218 = tpu.memref_slice %arg8[%add3A_166, %dma_wait3A_217] : memref<32x80xi32, #tpu.memory_space<vmem>> -> memref<1x80xi32, #tpu.memory_space<vmem>>
        %dma_wait3A_219 = tpu.memref_squeeze %dma_wait3A_218 : memref<1x80xi32, #tpu.memory_space<vmem>> -> memref<80xi32, #tpu.memory_space<vmem>>
        %dma_wait3A_220 = arith.constant 0 : i32
        %dma_wait3A_221 = arith.constant 0 : i32
        %dma_wait3A_222 = tpu.memref_slice %arg13[%dma_wait3A_220, %dma_wait3A_221] : memref<10112x128xf32, #tpu.memory_space<vmem_shared>> -> memref<10112x128xf32, #tpu.memory_space<vmem_shared>>
        tpu.wait_indirect_dma semaphore(%run_scoped3A_210 : memref<!tpu.dma_semaphore, #tpu.memory_space<semaphore_mem>>) src(%arg10 : memref<80x128xf32, #tpu.memory_space<vmem>>) dst(%dma_wait3A_222 : memref<10112x128xf32, #tpu.memory_space<vmem_shared>>)
        tpu.yield
      }) : () -> ()
      %add3A_173 = arith.constant 4 : i32
      %add3A_174 = arith.addi %add3A_166, %add3A_173 : i32
      %lt3A_175 = arith.constant 32 : i32
      %lt3A_176 = arith.cmpi slt, %add3A_174, %lt3A_175 : i32
      %convert_element_type3A_177 = arith.extui %lt3A_176 : i1 to i32
      %cond3A_178 = arith.constant 0 : i32
      %cond3A_179 = arith.cmpi ne, %convert_element_type3A_177, %cond3A_178 : i32
      scf.if %cond3A_179 {
        %add3A_210 = arith.constant 4 : i32
        %add3A_211 = arith.addi %add3A_166, %add3A_210 : i32
        %dma_start3A_212 = arith.constant 0 : i32
        %dma_start3A_213 = tpu.memref_slice %arg7[%add3A_211, %dma_start3A_212] : memref<32x80xi32, #tpu.memory_space<vmem>> -> memref<1x80xi32, #tpu.memory_space<vmem>>
        %dma_start3A_214 = tpu.memref_squeeze %dma_start3A_213 : memref<1x80xi32, #tpu.memory_space<vmem>> -> memref<80xi32, #tpu.memory_space<vmem>>
        %dma_start3A_215 = arith.constant 0 : i32
        %dma_start3A_216 = arith.constant 0 : i32
        %dma_start3A_217 = tpu.memref_slice %arg2[%dma_start3A_215, %dma_start3A_216] : memref<10112x128xf32, #tpu.memory_space<hbm>> -> memref<10112x128xf32, #tpu.memory_space<hbm>>
        tpu.enqueue_indirect_dma source(%dma_start3A_217 : memref<10112x128xf32, #tpu.memory_space<hbm>>) target(%arg10 : memref<80x128xf32, #tpu.memory_space<vmem>>) offsets(%dma_start3A_214 : memref<80xi32, #tpu.memory_space<vmem>>) semaphore(%arg15 : memref<!tpu.dma_semaphore, #tpu.memory_space<semaphore_mem>>)
      } else {
      }
      %add3A_180 = arith.constant 2 : i32
      %add3A_181 = arith.addi %mul3A_153, %add3A_180 : i32
      %dma_wait3A_182 = arith.constant 0 : i32
      %dma_wait3A_183 = tpu.memref_slice %arg7[%add3A_181, %dma_wait3A_182] : memref<32x80xi32, #tpu.memory_space<vmem>> -> memref<1x80xi32, #tpu.memory_space<vmem>>
      %dma_wait3A_184 = tpu.memref_squeeze %dma_wait3A_183 : memref<1x80xi32, #tpu.memory_space<vmem>> -> memref<80xi32, #tpu.memory_space<vmem>>
      %dma_wait3A_185 = arith.constant 0 : i32
      %dma_wait3A_186 = arith.constant 0 : i32
      %dma_wait3A_187 = tpu.memref_slice %arg2[%dma_wait3A_185, %dma_wait3A_186] : memref<10112x128xf32, #tpu.memory_space<hbm>> -> memref<10112x128xf32, #tpu.memory_space<hbm>>
      tpu.wait_indirect_dma semaphore(%arg16 : memref<!tpu.dma_semaphore, #tpu.memory_space<semaphore_mem>>) src(%dma_wait3A_187 : memref<10112x128xf32, #tpu.memory_space<hbm>>) dst(%arg11 : memref<80x128xf32, #tpu.memory_space<vmem>>)
      "tpu.region"() ({
        %run_scoped3A_210 = tpu.sem_alloc : memref<!tpu.dma_semaphore, #tpu.memory_space<semaphore_mem>>
        %dma_start3A_211 = arith.constant 0 : i32
        %dma_start3A_212 = tpu.memref_slice %arg8[%add3A_181, %dma_start3A_211] : memref<32x80xi32, #tpu.memory_space<vmem>> -> memref<1x80xi32, #tpu.memory_space<vmem>>
        %dma_start3A_213 = tpu.memref_squeeze %dma_start3A_212 : memref<1x80xi32, #tpu.memory_space<vmem>> -> memref<80xi32, #tpu.memory_space<vmem>>
        %dma_start3A_214 = arith.constant 0 : i32
        %dma_start3A_215 = arith.constant 0 : i32
        %dma_start3A_216 = tpu.memref_slice %arg13[%dma_start3A_214, %dma_start3A_215] : memref<10112x128xf32, #tpu.memory_space<vmem_shared>> -> memref<10112x128xf32, #tpu.memory_space<vmem_shared>>
        tpu.enqueue_indirect_dma source(%arg11 : memref<80x128xf32, #tpu.memory_space<vmem>>) target(%dma_start3A_216 : memref<10112x128xf32, #tpu.memory_space<vmem_shared>>) offsets(%dma_start3A_213 : memref<80xi32, #tpu.memory_space<vmem>>) semaphore(%run_scoped3A_210 : memref<!tpu.dma_semaphore, #tpu.memory_space<semaphore_mem>>) {add = true}
        %dma_wait3A_217 = arith.constant 0 : i32
        %dma_wait3A_218 = tpu.memref_slice %arg8[%add3A_181, %dma_wait3A_217] : memref<32x80xi32, #tpu.memory_space<vmem>> -> memref<1x80xi32, #tpu.memory_space<vmem>>
        %dma_wait3A_219 = tpu.memref_squeeze %dma_wait3A_218 : memref<1x80xi32, #tpu.memory_space<vmem>> -> memref<80xi32, #tpu.memory_space<vmem>>
        %dma_wait3A_220 = arith.constant 0 : i32
        %dma_wait3A_221 = arith.constant 0 : i32
        %dma_wait3A_222 = tpu.memref_slice %arg13[%dma_wait3A_220, %dma_wait3A_221] : memref<10112x128xf32, #tpu.memory_space<vmem_shared>> -> memref<10112x128xf32, #tpu.memory_space<vmem_shared>>
        tpu.wait_indirect_dma semaphore(%run_scoped3A_210 : memref<!tpu.dma_semaphore, #tpu.memory_space<semaphore_mem>>) src(%arg11 : memref<80x128xf32, #tpu.memory_space<vmem>>) dst(%dma_wait3A_222 : memref<10112x128xf32, #tpu.memory_space<vmem_shared>>)
        tpu.yield
      }) : () -> ()
      %add3A_188 = arith.constant 4 : i32
      %add3A_189 = arith.addi %add3A_181, %add3A_188 : i32
      %lt3A_190 = arith.constant 32 : i32
      %lt3A_191 = arith.cmpi slt, %add3A_189, %lt3A_190 : i32
      %convert_element_type3A_192 = arith.extui %lt3A_191 : i1 to i32
      %cond3A_193 = arith.constant 0 : i32
      %cond3A_194 = arith.cmpi ne, %convert_element_type3A_192, %cond3A_193 : i32
      scf.if %cond3A_194 {
        %add3A_210 = arith.constant 4 : i32
        %add3A_211 = arith.addi %add3A_181, %add3A_210 : i32
        %dma_start3A_212 = arith.constant 0 : i32
        %dma_start3A_213 = tpu.memref_slice %arg7[%add3A_211, %dma_start3A_212] : memref<32x80xi32, #tpu.memory_space<vmem>> -> memref<1x80xi32, #tpu.memory_space<vmem>>
        %dma_start3A_214 = tpu.memref_squeeze %dma_start3A_213 : memref<1x80xi32, #tpu.memory_space<vmem>> -> memref<80xi32, #tpu.memory_space<vmem>>
        %dma_start3A_215 = arith.constant 0 : i32
        %dma_start3A_216 = arith.constant 0 : i32
        %dma_start3A_217 = tpu.memref_slice %arg2[%dma_start3A_215, %dma_start3A_216] : memref<10112x128xf32, #tpu.memory_space<hbm>> -> memref<10112x128xf32, #tpu.memory_space<hbm>>
        tpu.enqueue_indirect_dma source(%dma_start3A_217 : memref<10112x128xf32, #tpu.memory_space<hbm>>) target(%arg11 : memref<80x128xf32, #tpu.memory_space<vmem>>) offsets(%dma_start3A_214 : memref<80xi32, #tpu.memory_space<vmem>>) semaphore(%arg16 : memref<!tpu.dma_semaphore, #tpu.memory_space<semaphore_mem>>)
      } else {
      }
      %add3A_195 = arith.constant 3 : i32
      %add3A_196 = arith.addi %mul3A_153, %add3A_195 : i32
      %dma_wait3A_197 = arith.constant 0 : i32
      %dma_wait3A_198 = tpu.memref_slice %arg7[%add3A_196, %dma_wait3A_197] : memref<32x80xi32, #tpu.memory_space<vmem>> -> memref<1x80xi32, #tpu.memory_space<vmem>>
      %dma_wait3A_199 = tpu.memref_squeeze %dma_wait3A_198 : memref<1x80xi32, #tpu.memory_space<vmem>> -> memref<80xi32, #tpu.memory_space<vmem>>
      %dma_wait3A_200 = arith.constant 0 : i32
      %dma_wait3A_201 = arith.constant 0 : i32
      %dma_wait3A_202 = tpu.memref_slice %arg2[%dma_wait3A_200, %dma_wait3A_201] : memref<10112x128xf32, #tpu.memory_space<hbm>> -> memref<10112x128xf32, #tpu.memory_space<hbm>>
      tpu.wait_indirect_dma semaphore(%arg17 : memref<!tpu.dma_semaphore, #tpu.memory_space<semaphore_mem>>) src(%dma_wait3A_202 : memref<10112x128xf32, #tpu.memory_space<hbm>>) dst(%arg12 : memref<80x128xf32, #tpu.memory_space<vmem>>)
      "tpu.region"() ({
        %run_scoped3A_210 = tpu.sem_alloc : memref<!tpu.dma_semaphore, #tpu.memory_space<semaphore_mem>>
        %dma_start3A_211 = arith.constant 0 : i32
        %dma_start3A_212 = tpu.memref_slice %arg8[%add3A_196, %dma_start3A_211] : memref<32x80xi32, #tpu.memory_space<vmem>> -> memref<1x80xi32, #tpu.memory_space<vmem>>
        %dma_start3A_213 = tpu.memref_squeeze %dma_start3A_212 : memref<1x80xi32, #tpu.memory_space<vmem>> -> memref<80xi32, #tpu.memory_space<vmem>>
        %dma_start3A_214 = arith.constant 0 : i32
        %dma_start3A_215 = arith.constant 0 : i32
        %dma_start3A_216 = tpu.memref_slice %arg13[%dma_start3A_214, %dma_start3A_215] : memref<10112x128xf32, #tpu.memory_space<vmem_shared>> -> memref<10112x128xf32, #tpu.memory_space<vmem_shared>>
        tpu.enqueue_indirect_dma source(%arg12 : memref<80x128xf32, #tpu.memory_space<vmem>>) target(%dma_start3A_216 : memref<10112x128xf32, #tpu.memory_space<vmem_shared>>) offsets(%dma_start3A_213 : memref<80xi32, #tpu.memory_space<vmem>>) semaphore(%run_scoped3A_210 : memref<!tpu.dma_semaphore, #tpu.memory_space<semaphore_mem>>) {add = true}
        %dma_wait3A_217 = arith.constant 0 : i32
        %dma_wait3A_218 = tpu.memref_slice %arg8[%add3A_196, %dma_wait3A_217] : memref<32x80xi32, #tpu.memory_space<vmem>> -> memref<1x80xi32, #tpu.memory_space<vmem>>
        %dma_wait3A_219 = tpu.memref_squeeze %dma_wait3A_218 : memref<1x80xi32, #tpu.memory_space<vmem>> -> memref<80xi32, #tpu.memory_space<vmem>>
        %dma_wait3A_220 = arith.constant 0 : i32
        %dma_wait3A_221 = arith.constant 0 : i32
        %dma_wait3A_222 = tpu.memref_slice %arg13[%dma_wait3A_220, %dma_wait3A_221] : memref<10112x128xf32, #tpu.memory_space<vmem_shared>> -> memref<10112x128xf32, #tpu.memory_space<vmem_shared>>
        tpu.wait_indirect_dma semaphore(%run_scoped3A_210 : memref<!tpu.dma_semaphore, #tpu.memory_space<semaphore_mem>>) src(%arg12 : memref<80x128xf32, #tpu.memory_space<vmem>>) dst(%dma_wait3A_222 : memref<10112x128xf32, #tpu.memory_space<vmem_shared>>)
        tpu.yield
      }) : () -> ()
      %add3A_203 = arith.constant 4 : i32
      %add3A_204 = arith.addi %add3A_196, %add3A_203 : i32
      %lt3A_205 = arith.constant 32 : i32
      %lt3A_206 = arith.cmpi slt, %add3A_204, %lt3A_205 : i32
      %convert_element_type3A_207 = arith.extui %lt3A_206 : i1 to i32
      %cond3A_208 = arith.constant 0 : i32
      %cond3A_209 = arith.cmpi ne, %convert_element_type3A_207, %cond3A_208 : i32
      scf.if %cond3A_209 {
        %add3A_210 = arith.constant 4 : i32
        %add3A_211 = arith.addi %add3A_196, %add3A_210 : i32
        %dma_start3A_212 = arith.constant 0 : i32
        %dma_start3A_213 = tpu.memref_slice %arg7[%add3A_211, %dma_start3A_212] : memref<32x80xi32, #tpu.memory_space<vmem>> -> memref<1x80xi32, #tpu.memory_space<vmem>>
        %dma_start3A_214 = tpu.memref_squeeze %dma_start3A_213 : memref<1x80xi32, #tpu.memory_space<vmem>> -> memref<80xi32, #tpu.memory_space<vmem>>
        %dma_start3A_215 = arith.constant 0 : i32
        %dma_start3A_216 = arith.constant 0 : i32
        %dma_start3A_217 = tpu.memref_slice %arg2[%dma_start3A_215, %dma_start3A_216] : memref<10112x128xf32, #tpu.memory_space<hbm>> -> memref<10112x128xf32, #tpu.memory_space<hbm>>
        tpu.enqueue_indirect_dma source(%dma_start3A_217 : memref<10112x128xf32, #tpu.memory_space<hbm>>) target(%arg12 : memref<80x128xf32, #tpu.memory_space<vmem>>) offsets(%dma_start3A_214 : memref<80xi32, #tpu.memory_space<vmem>>) semaphore(%arg17 : memref<!tpu.dma_semaphore, #tpu.memory_space<semaphore_mem>>)
      } else {
      }
    }
    %scan3A_145 = arith.constant 8 : i32
    %barrier3A_146 = arith.constant 0 : index
    tpu.barrier barrier_id(%barrier3A_146)
    %mul3A_147 = arith.constant 632 : i32
    %mul3A_148 = arith.muli %arg1, %mul3A_147 : i32
    %mul3A_149 = arith.constant 632 : i32
    %mul3A_150 = arith.muli %arg1, %mul3A_149 : i32
    "tpu.region"() ({
      %run_scoped3A_151 = tpu.sem_alloc : memref<!tpu.dma_semaphore, #tpu.memory_space<semaphore_mem>>
      %dma_start3A_152 = arith.constant 0 : i32
      %dma_start3A_153 = tpu.memref_slice %arg6[%arg0, %mul3A_150, %dma_start3A_152] : memref<2x10112x128xf32, #tpu.memory_space<hbm>> -> memref<1x632x128xf32, #tpu.memory_space<hbm>>
      %dma_start3A_154 = tpu.memref_squeeze %dma_start3A_153 : memref<1x632x128xf32, #tpu.memory_space<hbm>> -> memref<632x128xf32, #tpu.memory_space<hbm>>
      %dma_start3A_155 = arith.constant 0 : i32
      %dma_start3A_156 = tpu.memref_slice %arg13[%mul3A_148, %dma_start3A_155] : memref<10112x128xf32, #tpu.memory_space<vmem_shared>> -> memref<632x128xf32, #tpu.memory_space<vmem_shared>>
      tpu.enqueue_dma source(%dma_start3A_156 : memref<632x128xf32, #tpu.memory_space<vmem_shared>>) target(%dma_start3A_154 : memref<632x128xf32, #tpu.memory_space<hbm>>) target_semaphore(%run_scoped3A_151 : memref<!tpu.dma_semaphore, #tpu.memory_space<semaphore_mem>>)
      %dma_wait3A = arith.constant 0 : i32
      %dma_wait3A_157 = tpu.memref_slice %arg6[%arg0, %mul3A_150, %dma_wait3A] : memref<2x10112x128xf32, #tpu.memory_space<hbm>> -> memref<1x632x128xf32, #tpu.memory_space<hbm>>
      %dma_wait3A_158 = tpu.memref_squeeze %dma_wait3A_157 : memref<1x632x128xf32, #tpu.memory_space<hbm>> -> memref<632x128xf32, #tpu.memory_space<hbm>>
      %dma_wait3A_159 = arith.constant 0 : i32
      %dma_wait3A_160 = tpu.memref_slice %arg13[%mul3A_148, %dma_wait3A_159] : memref<10112x128xf32, #tpu.memory_space<vmem_shared>> -> memref<632x128xf32, #tpu.memory_space<vmem_shared>>
      tpu.wait_dma2 semaphore(%run_scoped3A_151 : memref<!tpu.dma_semaphore, #tpu.memory_space<semaphore_mem>>) src(%dma_wait3A_160 : memref<632x128xf32, #tpu.memory_space<vmem_shared>>) dst(%dma_wait3A_158 : memref<632x128xf32, #tpu.memory_space<hbm>>)
      tpu.yield
    }) : () -> ()
    return
  }
}

module attributes {stable_mosaic.version = 14 : i64} {
  func.func @body(%arg0: i32, %arg1: memref<2x2000x128xf32, #tpu.memory_space<vmem>>, %arg2: memref<128x128xf32, #tpu.memory_space<vmem>>, %arg3: memref<2000x128xf32, #tpu.memory_space<vmem>>) attributes {dimension_semantics = [#tpu.dimension_semantics<arbitrary>], iteration_bounds = array<i64: 5>, scalar_prefetch = 0 : i64, scratch_operands = 0 : i64, tpu.core_type = #tpu.core_type<tc>, window_params = [{transform_indices = @transform_0, window_bounds = array<i64: 2, 2000, 128>}, {pipeline_mode = #tpu.pipeline_mode<synchronous>, transform_indices = @transform_1, window_bounds = array<i64: 128, 128>}, {transform_indices = @transform_2, window_bounds = array<i64: 2000, 128>}]} {
    %get3A = arith.constant 0 : index
    %get3A_0 = arith.constant 0 : index
    %get3A_1 = arith.constant 0 : index
    %get3A_2 = vector.load %arg1[%get3A, %get3A_0, %get3A_1] : memref<2x2000x128xf32, #tpu.memory_space<vmem>>, vector<2x2000x128xf32>
    %slice3A = vector.extract_strided_slice %get3A_2 {offsets = [0, 0, 0], sizes = [1, 2000, 128], strides = [1, 1, 1]} : vector<2x2000x128xf32> to vector<1x2000x128xf32>
    %squeeze3A = vector.shape_cast %slice3A : vector<1x2000x128xf32> to vector<2000x128xf32>
    %slice3A_3 = vector.extract_strided_slice %get3A_2 {offsets = [1, 0, 0], sizes = [1, 2000, 128], strides = [1, 1, 1]} : vector<2x2000x128xf32> to vector<1x2000x128xf32>
    %squeeze3A_4 = vector.shape_cast %slice3A_3 : vector<1x2000x128xf32> to vector<2000x128xf32>
    %add3A = arith.addf %squeeze3A, %squeeze3A_4 : vector<2000x128xf32>
    %get3A_5 = arith.constant 0 : index
    %get3A_6 = arith.constant 0 : index
    %get3A_7 = vector.load %arg2[%get3A_5, %get3A_6] : memref<128x128xf32, #tpu.memory_space<vmem>>, vector<128x128xf32>
    %dot_general3A = arith.constant dense<0.000000e+00> : vector<2000x128xf32>
    %dot_general3A_8 = tpu.matmul %add3A, %get3A_7, %dot_general3A {dimension_numbers = #tpu.dot_dimension_numbers<[1], [1], [0], [0], [0, 0, 1, 0], [], []>, precision = #tpu.contract_precision<fp32>, transpose_lhs_hint = false} : vector<2000x128xf32>, vector<128x128xf32>, vector<2000x128xf32> -> vector<2000x128xf32>
    %swap3A = arith.constant 0 : index
    %swap3A_9 = arith.constant 0 : index
    %swap3A_10 = vector.load %arg3[%swap3A, %swap3A_9] : memref<2000x128xf32, #tpu.memory_space<vmem>>, vector<2000x128xf32>
    tpu.vector_store %arg3[%swap3A, %swap3A_9], %dot_general3A_8 {strides = array<i32>} : memref<2000x128xf32, #tpu.memory_space<vmem>>, vector<2000x128xf32>,
    return
  }
  func.func @transform_0(%arg0: i32) -> (i32, i32, i32) {
    %c0_i32 = arith.constant 0 : i32
    %c0_i32_0 = arith.constant 0 : i32
    %c0_i32_1 = arith.constant 0 : i32
    return %c0_i32, %arg0, %c0_i32_0 : i32, i32, i32
  }
  func.func @transform_1(%arg0: i32) -> (i32, i32) {
    %c0_i32 = arith.constant 0 : i32
    %c0_i32_0 = arith.constant 0 : i32
    %c0_i32_1 = arith.constant 0 : i32
    return %c0_i32, %c0_i32_0 : i32, i32
  }
  func.func @transform_2(%arg0: i32) -> (i32, i32) {
    %c0_i32 = arith.constant 0 : i32
    %c0_i32_0 = arith.constant 0 : i32
    return %arg0, %c0_i32 : i32, i32
  }
}

</mosaic_0001>

<sc_bundles>
// kernel: kernel.4.cloned.1.call-start
scs
__scs_entry_jumppad:
0x0: {  	(pc) =	sbr.rel $0x88, $3  }
0x1: {  	(tag) =	ssettag $0x0;
	lr =	simm.s32 $0x1  }
0x2: {  	[smem:$0x3F9E] =	sst lr;
	_ =	strace $0xD0000000  }
0x3: {  	_ = 	snop  }
0x4: {  	_ = 	snop  }
0x5: {  	_ = 	snop  }
0x6: {  	_ = 	snop  }
0x7: {  	_ = 	snop  }
__scs_overlays_trampoline_lowered:
0x8: {  	[smem:$0x3FAD] =	sst s0  }
0x9: {  	[smem:$0x3FAE] =	sst s1  }
0xa: {  	[smem:$0x3FAF] =	sst s2  }
0xb: {  	[smem:$0x3FB0] =	sst s3  }
0xc: {  	[smem:$0x3FB1] =	sst s4  }
0xd: {  	[smem:$0x3FB2] =	sst s5  }
0xe: {  	[smem:$0x3FB3] =	sst s6  }
0xf: {  	[smem:$0x3FB4] =	sst s7  }
0x10: {  	[smem:$0x3FB5] =	sst s8  }
0x11: {  	[smem:$0x3FB6] =	sst s9;
	s0 =	simm.s32 @!p0 $0x0  }
0x12: {  	s1 =	sld [smem:$0x3F9C];
	s0 =	simm.s32 @p0 $0x1  }
0x13: {  	[smem:$0x3FB7] =	sst s0;
	s0 =	simm.s32 @!p1 $0x0  }
0x14: {  	s2 =	sld [smem:$0x3F9B];
	s0 =	simm.s32 @p1 $0x1  }
0x15: {  	[smem:$0x3FB8] =	sst s0;
	s0 =	simm.s32 @!p2 $0x0  }
0x16: {  	s3 =	sld [smem:$0x3FDB];
	s0 =	simm.s32 @p2 $0x1  }
0x17: {  	s4 =	simm.s32 $0x1BF5;
	[smem:$0x3FBA] =	sst s0  }
0x18: {  	s0 =	sld [smem:$0x3F9D];
	_ =	swait.ge [sflag:s4], $0x0  }
0x19: {  	s7 =	sld [smem:$0x3F9E]  }
0x1a: {  	s8 =	sadd.s32 $0xFFFFE003, lr  }
0x1b: {  	s9 =	sadd.s32 $0xFFFFFEF7, lr;
	s5 =	simm.s32 $0xFFFFFFFF;
	p2 =	slt.u32 s8, $0xFFFFF086  }
0x1c: {  	p1 =	slt.u32 s9, $0xF7A;
	s5 =	simm.s32 @!p2 $0x0  }
0x1d: {  	s5 =	simm.s32 @p1 $0x1;
	p0 =	seq.s32 s7, s2  }
0x1e: {  	s7 =	smul.u32 @!p0 $0xF7A, s2;
	p2 =	seq.s32 @!p0 s5, $0x0  }
0x1f: {  	s9 =	smul.u32 $0xF7A, s1;
	s8 =	simm.s32 @!p0 $0x1BF5;
	p2 =	por !p2, p0  }
0x20: {  	[sflag:s8] =	ssyncset.s32 @!p0 $0xFFFFF086;
	s6 =	sadd.s32 @!p0 s3, s7;
	s7 =	simm.s32 @!p0 $0x108  }
0x21: {  	s3 =	sadd.s32 s3, s9;
	s6 =	sadd.s32 @!p0 $0x88, s6;
	s7 =	simm.s32 @p2 $0x1082  }
0x22: {  	[simem:s7], [sflag:s8] =	dma.local @!p0 [hbm:s6], $0xF7A  }
0x23: {  	s9 =	sor.u32 $0xD0000000, s2;
	s6 =	simm.s32 $0x108;
	_ =	swait.ge @!p0 [sflag:s8], $0x0  }
0x24: {  	s3 =	sadd.s32 $0x88, s3;
	s6 =	simm.s32 @!p1 $0x1082;
	[sflag:s4] =	ssyncset.s32 $0xFFFFF086  }
0x25: {  	[simem:s6], [sflag:s4] =	dma.local [hbm:s3], $0xF7A  }
0x26: {  	[smem:$0x3F9E] =	sst s1;
	(tag) =	ssettag s2;
	_ =	strace s9  }
0x27: {  	s1 =	sld [smem:$0x3FAE]  }
0x28: {  	s2 =	sld [smem:$0x3FAF]  }
0x29: {  	s4 =	sld [smem:$0x3FB1]  }
0x2a: {  	p0 =	seq.s32 s5, $0x0;
	s5 =	sld [smem:$0x3FB2]  }
0x2b: {  	s6 =	sld [smem:$0x3FB3]  }
0x2c: {  	s7 =	sld [smem:$0x3FB4]  }
0x2d: {  	s3 =	simm.s32 $0x108;
	s8 =	sld [smem:$0x3FB5]  }
0x2e: {  	s3 =	simm.s32 @!p0 $0x1082;
	s9 =	sld [smem:$0x3FB6]  }
0x2f: {  	lr =	sadd.s32 s0, s3;
	s0 =	sld [smem:$0x3FAD]  }
0x30: {  	s3 =	sld [smem:$0x3FB0]  }
0x31: {  	[smem:$0x3FB9] =	sst s10  }
0x32: {  	s10 =	sld [smem:$0x3FB7];
	_ =	sdelay $0x3  }
0x33: {  	p0 =	seq.s32 s10, $0x1;
	s10 =	sld [smem:$0x3FB9];
	_ =	sdelay $0x3  }
0x34: {  	[smem:$0x3FB9] =	sst s10  }
0x35: {  	s10 =	sld [smem:$0x3FB8];
	_ =	sdelay $0x3  }
0x36: {  	p1 =	seq.s32 s10, $0x1;
	s10 =	sld [smem:$0x3FB9];
	_ =	sdelay $0x3  }
0x37: {  	[smem:$0x3FB9] =	sst s10  }
0x38: {  	s10 =	sld [smem:$0x3FBA]  }
0x39: {  	_ = 	snop;
	(pc) =	sbr.ind lr, $3  }
0x3a: {  	_ = 	snop  }
0x3b: {  	_ = 	snop  }
0x3c: {  	p2 =	seq.s32 s10, $0x1;
	s10 =	sld [smem:$0x3FB9]  }
0x3d: {  	_ =	shalt  }
0x3e: {  	_ =	shalt  }
0x3f: {  	_ =	shalt  }
0x40: {  	_ =	shalt  }
0x41: {  	_ =	shalt  }
0x42: {  	_ =	shalt  }
0x43: {  	_ =	shalt  }
0x44: {  	_ =	shalt  }
0x45: {  	_ =	shalt  }
0x46: {  	_ =	shalt  }
0x47: {  	_ =	shalt  }
0x48: {  	_ =	shalt  }
0x49: {  	_ =	shalt  }
0x4a: {  	_ =	shalt  }
0x4b: {  	_ =	shalt  }
0x4c: {  	_ =	shalt  }
0x4d: {  	_ =	shalt  }
0x4e: {  	_ =	shalt  }
0x4f: {  	_ =	shalt  }
0x50: {  	_ =	shalt  }
0x51: {  	_ =	shalt  }
0x52: {  	_ =	shalt  }
0x53: {  	_ =	shalt  }
0x54: {  	_ =	shalt  }
0x55: {  	_ =	shalt  }
0x56: {  	_ =	shalt  }
0x57: {  	_ =	shalt  }
0x58: {  	_ =	shalt  }
0x59: {  	_ =	shalt  }
0x5a: {  	_ =	shalt  }
0x5b: {  	_ =	shalt  }
0x5c: {  	_ =	shalt  }
0x5d: {  	_ =	shalt  }
0x5e: {  	_ =	shalt  }
0x5f: {  	_ =	shalt  }
0x60: {  	_ =	shalt  }
0x61: {  	_ =	shalt  }
0x62: {  	_ =	shalt  }
0x63: {  	_ =	shalt  }
0x64: {  	_ =	shalt  }
0x65: {  	_ =	shalt  }
0x66: {  	_ =	shalt  }
0x67: {  	_ =	shalt  }
0x68: {  	_ =	shalt  }
0x69: {  	_ =	shalt  }
0x6a: {  	_ =	shalt  }
0x6b: {  	_ =	shalt  }
0x6c: {  	_ =	shalt  }
0x6d: {  	_ =	shalt  }
0x6e: {  	_ =	shalt  }
0x6f: {  	_ =	shalt  }
0x70: {  	_ =	shalt  }
0x71: {  	_ =	shalt  }
0x72: {  	_ =	shalt  }
0x73: {  	_ =	shalt  }
0x74: {  	_ =	shalt  }
0x75: {  	_ =	shalt  }
0x76: {  	_ =	shalt  }
0x77: {  	_ =	shalt  }
0x78: {  	_ =	shalt  }
0x79: {  	_ =	shalt  }
0x7a: {  	_ =	shalt  }
0x7b: {  	_ =	shalt  }
0x7c: {  	_ =	shalt  }
0x7d: {  	_ =	shalt  }
0x7e: {  	_ =	shalt  }
0x7f: {  	_ =	shalt  }
0x80: {  	_ =	shalt  }
0x81: {  	_ =	shalt  }
0x82: {  	_ =	shalt  }
0x83: {  	_ =	shalt  }
0x84: {  	_ =	shalt  }
0x85: {  	_ =	shalt  }
0x86: {  	_ =	shalt  }
0x87: {  	_ =	shalt  }
.Lfunc_end0:
.L_simem_size_0:
called_computation_lowered:
.L_overlay_start_0:
0x88: {  	s2 =	sld [smem:$0x3FD9]  }
0x89: {  	s3 =	sld [smem:$0x3FFE];
	_ =	sdelay $0x1  }
0x8a: {  	s1 =	srdreg.scid  }
0x8b: {  	s0 =	sand.u32 $0x1, s1  }
0x8c: {  	s17 =	sshll.u32 s0, $0xA;
	s2 =	sadd.s32 s3, s2  }
0x8d: {  	s2 =	sadd.s32 s2, s17  }
0x8e: {  	[smem:$0x3FC5] =	sst s2  }
0x8f: {  	_ = 	snop  }
0x90: {  	s2 =	sld [smem:$0x3FD0];
	(tm) =	ssettm $0x1  }
0x91: {  	s18 =	sld [smem:$0x3FFB];
	_ =	sdelay $0x3  }
0x92: {  	_ =	strace s18  }
0x93: {  	s3 =	sld [smem:$0x3FFC];
	_ =	sdelay $0x3  }
0x94: {  	_ =	strace s3  }
0x95: {  	s3 =	sld [smem:$0x3FFD];
	_ =	sdelay $0x3  }
0x96: {  	_ =	strace s3  }
0x97: {  	_ =	strace $0x8FFFFFFF  }
0x98: {  	s19 =	sld [smem:$0x3FDB];
	_ =	sdelay $0x1  }
0x99: {  	s4 =	simm.s32 $_scs_section_size  }
0x9a: {  	s5 =	simm.s32 $_size__tile_overlayer_lowered;
	s6 =	simm.s32 $_tile_overlayer_lowered  }
0x9b: {  	s22 =	simm.s32 $0x1BFF;
	s21 =	sshll.u32 s6, $0x1;
	s3 =	sadd.s32 s4, s19  }
0x9c: {  	s7 =	simm.s32 $0x0;
	s20 =	sshll.u32 s5, $0x1;
	s5 =	sadd.s32 s21, s3  }
0x9d: {  	[timem:s7], [sflag:s22] =	dma.local [hbm:s5], s20  }
0x9e: {  	_ =	swait.ge [sflag:s22], s20  }
0x9f: {  	s4 =	ssub.s32 $0x0, s20;
	[sflag:s22] =	ssyncset.done $0x0  }
0xa0: {  	[sflag:s22] =	ssyncadd.s32 s4;
	_ =	sdelay $0x1  }
0xa1: {  	s23 =	simm.s32 $0x1B8B  }
0xa2: {  	_ =	swait.ge [sflag:s23], $0x1  }
0xa3: {  	[sflag:s23] =	ssyncset.done $0x0  }
0xa4: {  	s25 =	simm.s32 $0x1B8E;
	s24 =	sld [smem:$0x3FFE];
	[sflag:s23] =	ssyncadd.s32 $0xFFFFFFFF  }
0xa5: {  	s26 =	simm.s32 $execute0_lowered;
	[smem:$0x3FD2] =	sst s25  }
0xa6: {  	s5 =	sshll.u32 s26, $0x1;
	_ =	strace $0x80000046;
	[dreg:$0x1] =	wrdreg $0xFFFFFFFF  }
0xa7: {  	s28 =	simm.s32 $_size_execute0_lowered;
	s3 =	sadd.s32 s3, s5;
	[dreg:$0x0] =	wrdreg $0x0  }
0xa8: {  	s5 =	sshll.u32 s28, $0x1;
	[dreg:$0x2] =	wrdreg s3  }
0xa9: {  	[dreg:$0x3] =	wrdreg s5  }
0xaa: {  	[dreg:$0x4] =	wrdreg $0xC0  }
0xab: {  	_ =	task [dreg:s7], $0x5FFFF  }
0xac: {  	[dreg:$0x1] =	wrdreg $0xFFFFFFFF  }
0xad: {  	[dreg:$0x0] =	wrdreg $0x60  }
0xae: {  	[dreg:$0x2] =	wrdreg s24  }
0xaf: {  	[dreg:$0x3] =	wrdreg s2  }
0xb0: {  	[dreg:$0x4] =	wrdreg $0xC0000  }
0xb1: {  	[dreg:$0x5] =	wrdreg $0x9  }
0xb2: {  	_ =	task.clear_ibuf [dreg:s7], $0x6FFFF;
	_ =	strace $0x90000046  }
0xb3: {  	s29 =	simm.s32 $0x9;
	_ =	strace $0x80000048  }
0xb4: {  	_ =	swait.ge [sflag:s29], $0x1  }
0xb5: {  	[sflag:s29] =	ssyncadd.s32 $0xFFFFFFFF  }
0xb6: {  	_ =	strace $0x90000048  }
0xb7: {  	_ =	sfence  }
0xb8: {  	s30 =	sld [smem:$0x0];
	_ =	sdelay $0x2  }
0xb9: {  	s31 =	sshll.u32 s1, $0xD;
	s1 =	sshrl.u32 s1, $0x2  }
0xba: {  	s3 =	sand.u32 $0x4000, s31;
	s1 =	sadd.s32 s1, s30  }
0xbb: {  	s0 =	sor.u32 s3, s0;
	s1 =	sshll.u32 s1, $0x11  }
0xbc: {  	s0 =	sor.u32 s1, s0  }
0xbd: {  	s0 =	sadd.s32 $0x8F2B, s0  }
0xbe: {  	[sflag:s0] =	ssyncadd.remote.s32 $0x1  }
0xbf: {  	_ =	sfence.sel $0xFFFF  }
0xc0: {  	[dreg:$0x0] =	wrdreg $0xFFFFFFFF;
	(pc) =	sbr.abs _section_cstart, $3  }
0xc1: {  	[dreg:$0x1] =	wrdreg $0xFFFFFFFF  }
0xc2: {  	_ =	task.clear_ibuf [dreg:s7], $0x2FFFF;
	_ =	strace $0x9FFFFFFF  }
0xc3: {  	(tm) =	ssettm $0x7FFFFFFF  }
tec
execute0_lowered:
.L_overlay_start_1:
0x0: {  	(tag) =	ssettag $0x1  }
0x1: {  	s0 =	rddreg [dreg:$0x0]  }
0x2: {  	s1 =	rddreg [dreg:$0x1]  }
0x3: {  	s2 =	rddreg [dreg:$0x2];
	s3 =	simm.s32 $0x0  }
0x4: {  	s12 =	stileid.u32;
	s4 =	srdreg.scid;
	s28 =	simm.s32 $0x9800  }
0x5: {  	s29 =	simm.s32 $0x1;
	s30 =	simm.s32 $0x2;
	s31 =	simm.s32 $0x3  }
0x6: {  	[smem:$0x7FF] =	sst s3;
	s5 =	smul.u32 $0x13C00, s12;
	s6 =	sand.u32 $0x1, s4  }
0x7: {  	s4 =	sadd.s32 $0x10800, s0;
	s8 =	sadd.s32 $0x800, s0;
	s10 =	smul.u32 $0x4F000, s12  }
0x8: {  	s16 =	sshll.u32 s12, $0x6;
	s17 =	sshll.u32 s12, $0xC;
	_ =	strace $0x80000047  }
0x9: {  	s7 =	smul.u32 $0x13C000, s6;
	s15 =	ssub.s32 $0x2, s6;
	s18 =	sshll.u32 s6, $0xB  }
0xa: {  	s6 =	sor.u32 $0x1C05, s16;
	s9 =	sshrl.u32 s5, $0x3;
	s11 =	sshrl.u32 s15, $0x1  }
0xb: {  	s10 =	sshrl.u32 s10, $0x2;
	s20 =	sor.u32 s18, s17;
	s18 =	simm.s32 $0x5  }
0xc: {  	s9 =	sadd.s32 s9, s0;
	s5 =	sadd.s32 s5, s7;
	s7 =	sadd.s32 s10, s2  }
0xd: {  	s21 =	sadd.s32 s1, s20;
	s22 =	sadd.s32 s8, s20;
	s23 =	sor.u32 $0x200, s20  }
0xe: {  	s25 =	sor.u32 $0x400, s20;
	s5 =	sshrl.u32 s5, $0x3;
	[dreg:$0x5] =	wrdreg s21  }
0xf: {  	s19 =	sadd.s32 $0x38000, s9;
	[dreg:$0x6] =	wrdreg s22;
	s24 =	sadd.s32 s1, s23  }
0x10: {  	s10 =	sadd.s32 s8, s23;
	s26 =	sadd.s32 s1, s25;
	s9 =	sor.u32 $0x600, s20  }
0x11: {  	s17 =	sshrl.u32 s7, $0x3;
	s20 =	simm.s32 $0x50;
	[dreg:$0x4] =	wrdreg s19  }
0x12: {  	s21 =	simm.s32 $0x2000;
	s22 =	simm.s32 $0x80;
	[dreg:$0x7] =	wrdreg s24  }
0x13: {  	s23 =	simm.s32 $0x4800;
	s7 =	simm.s32 $0x1F00;
	[dreg:$0x8] =	wrdreg s10  }
0x14: {  	s0 =	sadd.s32 s5, s0;
	s5 =	ssub.s32 s15, s11;
	[dreg:$0x9] =	wrdreg s26  }
0x15: {  	s10 =	sadd.s32 s8, s25;
	s13 =	sadd.s32 s1, s9;
	s14 =	sadd.s32 s8, s9  }
0x16: {  	s19 =	simm.s32 $0x1000;
	s24 =	simm.s32 $0x100;
	s25 =	simm.s32 $0x7000  }
0x17: {  	s26 =	simm.s32 $0x180;
	s1 =	simm.s32 $0x1E00;
	s8 =	simm.s32 $0x1F80  }
0x18: {  	s9 =	simm.s32 $0x0;
	[dreg:$0xa] =	wrdreg s10;
	s15 =	sadd.s32 $0x5F800, s0  }
0x19: {  	s16 =	smax.u32 s5, $0x1;
	s0 =	simm.s32 $0x4;
	s5 =	simm.s32 $0x1E80  }
.LBB2_1:
0x1a: {  	s10 =	rddreg [dreg:$0x4]  }
0x1b: {  	[spmem:s17], [sflag:s6] =	dma.local [hbm:s10], $0x2780  }
0x1c: {  	_ =	swait.ge [sflag:s18], $0x2780  }
0x1d: {  	[sflag:s18] =	ssyncset.done $0x0  }
0x1e: {  	[sflag:s18] =	ssyncadd.s32 $0xFFFFD880  }
0x1f: {  	[bflag:$0x0] =	sbarrier.arrive $0xFFFF  }
0x20: {  	s12 =	rddreg [dreg:$0x5]  }
0x21: {  	[tilespmem:s3], [sflag:$0x5] =	stream.linear.gather [hbm4b:s12+s3], $0x1000, $0x38;
	[tilespmem:$0x1FC00] =	vst v63  }
0x22: {  	_ =	swait.ge [sflag:s18], $0x1000  }
0x23: {  	[sflag:s18] =	ssyncset.done $0x0  }
0x24: {  	s11 =	rddreg [dreg:$0x6];
	[sflag:s18] =	ssyncadd.s32 $0xFFFFF000  }
0x25: {  	[tilespmem:s19], [sflag:$0x5] =	stream.linear.gather [hbm4b:s11+s3], $0x1000, $0x38;
	[tilespmem:$0x1FC00] =	vst v63  }
0x26: {  	_ =	swait.ge [sflag:s18], $0x1000  }
0x27: {  	[sflag:s18] =	ssyncset.done $0x0  }
0x28: {  	[sflag:s18] =	ssyncadd.s32 $0xFFFFF000  }
0x29: {  	[tilespmem:s21], [sflag:$0x1] =	stream.indirect.gather [hbm4b:s4+s20], $0x80, s3, s20, $0xb8;
	[tilespmem:$0x1FC00] =	vst v63  }
0x2a: {  	_ = 	snop  }
0x2b: {  	[tilespmem:s23], [sflag:$0x2] =	stream.indirect.gather [hbm4b:s4+s20], $0x80, s22, s20, $0xb8;
	[tilespmem:$0x1FC00] =	vst v63  }
0x2c: {  	_ = 	snop  }
0x2d: {  	[tilespmem:s25], [sflag:$0x3] =	stream.indirect.gather [hbm4b:s4+s20], $0x80, s24, s20, $0xb8;
	[tilespmem:$0x1FC00] =	vst v63  }
0x2e: {  	_ = 	snop  }
0x2f: {  	[tilespmem:s28], [sflag:$0x4] =	stream.indirect.gather [hbm4b:s4+s20], $0x80, s26, s20, $0xb8;
	[tilespmem:$0x1FC00] =	vst v63  }
0x30: {  	_ =	swait.ge [sflag:s29], $0x2800  }
0x31: {  	[sflag:s29] =	ssyncset.done $0x0  }
0x32: {  	s12 =	simm.s32 $0x1000;
	[sflag:s29] =	ssyncadd.s32 $0xFFFFD800  }
0x33: {  	[spmem:s2] =	stream.indirect.scatter.add.f32 [tilespmem:s21], [sflag:$0x5], $0x80, s12, s20, $0xb8;
	[tilespmem:$0x1FC00] =	vst v63  }
0x34: {  	_ =	swait.ge [sflag:s18], $0x2800  }
0x35: {  	[sflag:s18] =	ssyncset.done $0x0  }
0x36: {  	s11 =	simm.s32 $0x200;
	[sflag:s18] =	ssyncadd.s32 $0xFFFFD800  }
0x37: {  	[tilespmem:s21], [sflag:$0x1] =	stream.indirect.gather [hbm4b:s4+s20], $0x80, s11, s20, $0xb8;
	[tilespmem:$0x1FC00] =	vst v63  }
0x38: {  	_ =	swait.ge [sflag:s30], $0x2800  }
0x39: {  	[sflag:s30] =	ssyncset.done $0x0  }
0x3a: {  	s12 =	simm.s32 $0x1080;
	[sflag:s30] =	ssyncadd.s32 $0xFFFFD800  }
0x3b: {  	[spmem:s2] =	stream.indirect.scatter.add.f32 [tilespmem:s23], [sflag:$0x5], $0x80, s12, s20, $0xb8;
	[tilespmem:$0x1FC00] =	vst v63  }
0x3c: {  	_ =	swait.ge [sflag:s18], $0x2800  }
0x3d: {  	[sflag:s18] =	ssyncset.done $0x0  }
0x3e: {  	s11 =	simm.s32 $0x280;
	[sflag:s18] =	ssyncadd.s32 $0xFFFFD800  }
0x3f: {  	[tilespmem:s23], [sflag:$0x2] =	stream.indirect.gather [hbm4b:s4+s20], $0x80, s11, s20, $0xb8;
	[tilespmem:$0x1FC00] =	vst v63  }
0x40: {  	_ =	swait.ge [sflag:s31], $0x2800  }
0x41: {  	[sflag:s31] =	ssyncset.done $0x0  }
0x42: {  	s12 =	simm.s32 $0x1100;
	[sflag:s31] =	ssyncadd.s32 $0xFFFFD800  }
0x43: {  	[spmem:s2] =	stream.indirect.scatter.add.f32 [tilespmem:s25], [sflag:$0x5], $0x80, s12, s20, $0xb8;
	[tilespmem:$0x1FC00] =	vst v63  }
0x44: {  	_ =	swait.ge [sflag:s18], $0x2800  }
0x45: {  	[sflag:s18] =	ssyncset.done $0x0  }
0x46: {  	s11 =	simm.s32 $0x300;
	[sflag:s18] =	ssyncadd.s32 $0xFFFFD800  }
0x47: {  	[tilespmem:s25], [sflag:$0x3] =	stream.indirect.gather [hbm4b:s4+s20], $0x80, s11, s20, $0xb8;
	[tilespmem:$0x1FC00] =	vst v63  }
0x48: {  	_ =	swait.ge [sflag:s0], $0x2800  }
0x49: {  	[sflag:s0] =	ssyncset.done $0x0  }
0x4a: {  	s12 =	simm.s32 $0x1180;
	[sflag:s0] =	ssyncadd.s32 $0xFFFFD800  }
0x4b: {  	[spmem:s2] =	stream.indirect.scatter.add.f32 [tilespmem:s28], [sflag:$0x5], $0x80, s12, s20, $0xb8;
	[tilespmem:$0x1FC00] =	vst v63  }
0x4c: {  	_ =	swait.ge [sflag:s18], $0x2800  }
0x4d: {  	[sflag:s18] =	ssyncset.done $0x0  }
0x4e: {  	s10 =	simm.s32 $0x800;
	s11 =	simm.s32 $0x380;
	[sflag:s18] =	ssyncadd.s32 $0xFFFFD800  }
.LBB2_2:
0x4f: {  	[tilespmem:s28], [sflag:$0x4] =	stream.indirect.gather [hbm4b:s4+s20], $0x80, s11, s20, $0xb8;
	[tilespmem:$0x1FC00] =	vst v63  }
0x50: {  	s11 =	smov.u32 s10  }
0x51: {  	p0 =	sne.s32 s10, $0x3000;
	s10 =	sadd.s32 $0x800, s10;
	_ =	swait.ge [sflag:s29], $0x2800  }
0x52: {  	s11 =	sshra.s32 s11, $0x2;
	[sflag:s29] =	ssyncset.done $0x0  }
0x53: {  	s12 =	sadd.s32 $0x1000, s11;
	[sflag:s29] =	ssyncadd.s32 $0xFFFFD800  }
0x54: {  	[spmem:s2] =	stream.indirect.scatter.add.f32 [tilespmem:s21], [sflag:$0x5], $0x80, s12, s20, $0xb8;
	[tilespmem:$0x1FC00] =	vst v63  }
0x55: {  	_ =	swait.ge [sflag:s18], $0x2800  }
0x56: {  	[sflag:s18] =	ssyncset.done $0x0  }
0x57: {  	s12 =	sadd.s32 $0x200, s11;
	[sflag:s18] =	ssyncadd.s32 $0xFFFFD800  }
0x58: {  	[tilespmem:s21], [sflag:$0x1] =	stream.indirect.gather [hbm4b:s4+s20], $0x80, s12, s20, $0xb8;
	[tilespmem:$0x1FC00] =	vst v63  }
0x59: {  	_ =	swait.ge [sflag:s30], $0x2800  }
0x5a: {  	[sflag:s30] =	ssyncset.done $0x0  }
0x5b: {  	s12 =	sadd.s32 $0x1080, s11;
	[sflag:s30] =	ssyncadd.s32 $0xFFFFD800  }
0x5c: {  	[spmem:s2] =	stream.indirect.scatter.add.f32 [tilespmem:s23], [sflag:$0x5], $0x80, s12, s20, $0xb8;
	[tilespmem:$0x1FC00] =	vst v63  }
0x5d: {  	_ =	swait.ge [sflag:s18], $0x2800  }
0x5e: {  	[sflag:s18] =	ssyncset.done $0x0  }
0x5f: {  	s12 =	sadd.s32 $0x280, s11;
	[sflag:s18] =	ssyncadd.s32 $0xFFFFD800  }
0x60: {  	[tilespmem:s23], [sflag:$0x2] =	stream.indirect.gather [hbm4b:s4+s20], $0x80, s12, s20, $0xb8;
	[tilespmem:$0x1FC00] =	vst v63  }
0x61: {  	_ =	swait.ge [sflag:s31], $0x2800  }
0x62: {  	[sflag:s31] =	ssyncset.done $0x0  }
0x63: {  	s12 =	sadd.s32 $0x1100, s11;
	[sflag:s31] =	ssyncadd.s32 $0xFFFFD800  }
0x64: {  	[spmem:s2] =	stream.indirect.scatter.add.f32 [tilespmem:s25], [sflag:$0x5], $0x80, s12, s20, $0xb8;
	[tilespmem:$0x1FC00] =	vst v63  }
0x65: {  	_ =	swait.ge [sflag:s18], $0x2800  }
0x66: {  	[sflag:s18] =	ssyncset.done $0x0  }
0x67: {  	s12 =	sadd.s32 $0x300, s11;
	[sflag:s18] =	ssyncadd.s32 $0xFFFFD800  }
0x68: {  	[tilespmem:s25], [sflag:$0x3] =	stream.indirect.gather [hbm4b:s4+s20], $0x80, s12, s20, $0xb8;
	[tilespmem:$0x1FC00] =	vst v63  }
0x69: {  	_ =	swait.ge [sflag:s0], $0x2800  }
0x6a: {  	[sflag:s0] =	ssyncset.done $0x0  }
.Ltmp0:
0x6b: {  	s12 =	sadd.s32 $0x1180, s11;
	[sflag:s0] =	ssyncadd.s32 $0xFFFFD800;
	(pc) =	sbr.rel @p0 .LBB2_2-.Ltmp0, $4  }
0x6c: {  	[spmem:s2] =	stream.indirect.scatter.add.f32 [tilespmem:s28], [sflag:$0x5], $0x80, s12, s20, $0xb8;
	[tilespmem:$0x1FC00] =	vst v63  }
0x6d: {  	_ =	swait.ge [sflag:s18], $0x2800  }
0x6e: {  	[sflag:s18] =	ssyncset.done $0x0  }
0x6f: {  	s11 =	sadd.s32 $0x380, s11;
	[sflag:s18] =	ssyncadd.s32 $0xFFFFD800  }
0x70: {  	[tilespmem:s28], [sflag:$0x4] =	stream.indirect.gather [hbm4b:s4+s20], $0x80, s11, s20, $0xb8;
	[tilespmem:$0x1FC00] =	vst v63  }
0x71: {  	_ =	swait.ge [sflag:s29], $0x2800  }
0x72: {  	[sflag:s29] =	ssyncset.done $0x0  }
0x73: {  	[sflag:s29] =	ssyncadd.s32 $0xFFFFD800  }
0x74: {  	[spmem:s2] =	stream.indirect.scatter.add.f32 [tilespmem:s21], [sflag:$0x5], $0x80, s1, s20, $0xb8;
	[tilespmem:$0x1FC00] =	vst v63  }
0x75: {  	_ =	swait.ge [sflag:s18], $0x2800  }
0x76: {  	[sflag:s18] =	ssyncset.done $0x0  }
0x77: {  	[sflag:s18] =	ssyncadd.s32 $0xFFFFD800  }
0x78: {  	_ =	swait.ge [sflag:s30], $0x2800  }
0x79: {  	[sflag:s30] =	ssyncset.done $0x0  }
0x7a: {  	[sflag:s30] =	ssyncadd.s32 $0xFFFFD800  }
0x7b: {  	[spmem:s2] =	stream.indirect.scatter.add.f32 [tilespmem:s23], [sflag:$0x5], $0x80, s5, s20, $0xb8;
	[tilespmem:$0x1FC00] =	vst v63  }
0x7c: {  	_ =	swait.ge [sflag:s18], $0x2800  }
0x7d: {  	[sflag:s18] =	ssyncset.done $0x0  }
0x7e: {  	[sflag:s18] =	ssyncadd.s32 $0xFFFFD800  }
0x7f: {  	_ =	swait.ge [sflag:s31], $0x2800  }
0x80: {  	[sflag:s31] =	ssyncset.done $0x0  }
0x81: {  	[sflag:s31] =	ssyncadd.s32 $0xFFFFD800  }
0x82: {  	[spmem:s2] =	stream.indirect.scatter.add.f32 [tilespmem:s25], [sflag:$0x5], $0x80, s7, s20, $0xb8;
	[tilespmem:$0x1FC00] =	vst v63  }
0x83: {  	_ =	swait.ge [sflag:s18], $0x2800  }
0x84: {  	[sflag:s18] =	ssyncset.done $0x0  }
0x85: {  	[sflag:s18] =	ssyncadd.s32 $0xFFFFD800  }
0x86: {  	_ =	swait.ge [sflag:s0], $0x2800  }
0x87: {  	[sflag:s0] =	ssyncset.done $0x0  }
0x88: {  	[sflag:s0] =	ssyncadd.s32 $0xFFFFD800  }
0x89: {  	[spmem:s2] =	stream.indirect.scatter.add.f32 [tilespmem:s28], [sflag:$0x5], $0x80, s8, s20, $0xb8;
	[tilespmem:$0x1FC00] =	vst v63  }
0x8a: {  	_ =	swait.ge [sflag:s18], $0x2800  }
0x8b: {  	[sflag:s18] =	ssyncset.done $0x0  }
0x8c: {  	s10 =	simm.s32 $0x0;
	s12 =	rddreg [dreg:$0x7];
	[sflag:s18] =	ssyncadd.s32 $0xFFFFD800  }
0x8d: {  	[tilespmem:s10], [sflag:$0x5] =	stream.linear.gather [hbm4b:s12+s10], $0x1000, $0x38;
	[tilespmem:$0x1FC00] =	vst v63  }
0x8e: {  	_ =	swait.ge [sflag:s18], $0x1000  }
0x8f: {  	[sflag:s18] =	ssyncset.done $0x0  }
0x90: {  	s12 =	rddreg [dreg:$0x8];
	[sflag:s18] =	ssyncadd.s32 $0xFFFFF000  }
0x91: {  	[tilespmem:s19], [sflag:$0x5] =	stream.linear.gather [hbm4b:s12+s10], $0x1000, $0x38;
	[tilespmem:$0x1FC00] =	vst v63  }
0x92: {  	_ =	swait.ge [sflag:s18], $0x1000  }
0x93: {  	[sflag:s18] =	ssyncset.done $0x0  }
0x94: {  	[sflag:s18] =	ssyncadd.s32 $0xFFFFF000  }
0x95: {  	[tilespmem:s21], [sflag:$0x1] =	stream.indirect.gather [hbm4b:s4+s20], $0x80, s10, s20, $0xb8;
	[tilespmem:$0x1FC00] =	vst v63  }
0x96: {  	_ = 	snop  }
0x97: {  	[tilespmem:s23], [sflag:$0x2] =	stream.indirect.gather [hbm4b:s4+s20], $0x80, s22, s20, $0xb8;
	[tilespmem:$0x1FC00] =	vst v63  }
0x98: {  	_ = 	snop  }
0x99: {  	[tilespmem:s25], [sflag:$0x3] =	stream.indirect.gather [hbm4b:s4+s20], $0x80, s24, s20, $0xb8;
	[tilespmem:$0x1FC00] =	vst v63  }
0x9a: {  	_ = 	snop  }
0x9b: {  	[tilespmem:s28], [sflag:$0x4] =	stream.indirect.gather [hbm4b:s4+s20], $0x80, s26, s20, $0xb8;
	[tilespmem:$0x1FC00] =	vst v63  }
0x9c: {  	_ =	swait.ge [sflag:s29], $0x2800  }
0x9d: {  	[sflag:s29] =	ssyncset.done $0x0  }
0x9e: {  	s12 =	simm.s32 $0x1000;
	[sflag:s29] =	ssyncadd.s32 $0xFFFFD800  }
0x9f: {  	[spmem:s2] =	stream.indirect.scatter.add.f32 [tilespmem:s21], [sflag:$0x5], $0x80, s12, s20, $0xb8;
	[tilespmem:$0x1FC00] =	vst v63  }
0xa0: {  	_ =	swait.ge [sflag:s18], $0x2800  }
0xa1: {  	[sflag:s18] =	ssyncset.done $0x0  }
0xa2: {  	s11 =	simm.s32 $0x200;
	[sflag:s18] =	ssyncadd.s32 $0xFFFFD800  }
0xa3: {  	[tilespmem:s21], [sflag:$0x1] =	stream.indirect.gather [hbm4b:s4+s20], $0x80, s11, s20, $0xb8;
	[tilespmem:$0x1FC00] =	vst v63  }
0xa4: {  	_ =	swait.ge [sflag:s30], $0x2800  }
0xa5: {  	[sflag:s30] =	ssyncset.done $0x0  }
0xa6: {  	s12 =	simm.s32 $0x1080;
	[sflag:s30] =	ssyncadd.s32 $0xFFFFD800  }
0xa7: {  	[spmem:s2] =	stream.indirect.scatter.add.f32 [tilespmem:s23], [sflag:$0x5], $0x80, s12, s20, $0xb8;
	[tilespmem:$0x1FC00] =	vst v63  }
0xa8: {  	_ =	swait.ge [sflag:s18], $0x2800  }
0xa9: {  	[sflag:s18] =	ssyncset.done $0x0  }
0xaa: {  	s11 =	simm.s32 $0x280;
	[sflag:s18] =	ssyncadd.s32 $0xFFFFD800  }
0xab: {  	[tilespmem:s23], [sflag:$0x2] =	stream.indirect.gather [hbm4b:s4+s20], $0x80, s11, s20, $0xb8;
	[tilespmem:$0x1FC00] =	vst v63  }
0xac: {  	_ =	swait.ge [sflag:s31], $0x2800  }
0xad: {  	[sflag:s31] =	ssyncset.done $0x0  }
0xae: {  	s12 =	simm.s32 $0x1100;
	[sflag:s31] =	ssyncadd.s32 $0xFFFFD800  }
0xaf: {  	[spmem:s2] =	stream.indirect.scatter.add.f32 [tilespmem:s25], [sflag:$0x5], $0x80, s12, s20, $0xb8;
	[tilespmem:$0x1FC00] =	vst v63  }
0xb0: {  	_ =	swait.ge [sflag:s18], $0x2800  }
0xb1: {  	[sflag:s18] =	ssyncset.done $0x0  }
0xb2: {  	s11 =	simm.s32 $0x300;
	[sflag:s18] =	ssyncadd.s32 $0xFFFFD800  }
0xb3: {  	[tilespmem:s25], [sflag:$0x3] =	stream.indirect.gather [hbm4b:s4+s20], $0x80, s11, s20, $0xb8;
	[tilespmem:$0x1FC00] =	vst v63  }
0xb4: {  	_ =	swait.ge [sflag:s0], $0x2800  }
0xb5: {  	[sflag:s0] =	ssyncset.done $0x0  }
0xb6: {  	s12 =	simm.s32 $0x1180;
	[sflag:s0] =	ssyncadd.s32 $0xFFFFD800  }
0xb7: {  	[spmem:s2] =	stream.indirect.scatter.add.f32 [tilespmem:s28], [sflag:$0x5], $0x80, s12, s20, $0xb8;
	[tilespmem:$0x1FC00] =	vst v63  }
0xb8: {  	_ =	swait.ge [sflag:s18], $0x2800  }
0xb9: {  	[sflag:s18] =	ssyncset.done $0x0  }
0xba: {  	s10 =	simm.s32 $0x800;
	s11 =	simm.s32 $0x380;
	[sflag:s18] =	ssyncadd.s32 $0xFFFFD800  }
.LBB2_4:
0xbb: {  	[tilespmem:s28], [sflag:$0x4] =	stream.indirect.gather [hbm4b:s4+s20], $0x80, s11, s20, $0xb8;
	[tilespmem:$0x1FC00] =	vst v63  }
0xbc: {  	s11 =	smov.u32 s10  }
0xbd: {  	p0 =	sne.s32 s10, $0x3000;
	s10 =	sadd.s32 $0x800, s10;
	_ =	swait.ge [sflag:s29], $0x2800  }
0xbe: {  	s11 =	sshra.s32 s11, $0x2;
	[sflag:s29] =	ssyncset.done $0x0  }
0xbf: {  	s12 =	sadd.s32 $0x1000, s11;
	[sflag:s29] =	ssyncadd.s32 $0xFFFFD800  }
0xc0: {  	[spmem:s2] =	stream.indirect.scatter.add.f32 [tilespmem:s21], [sflag:$0x5], $0x80, s12, s20, $0xb8;
	[tilespmem:$0x1FC00] =	vst v63  }
0xc1: {  	_ =	swait.ge [sflag:s18], $0x2800  }
0xc2: {  	[sflag:s18] =	ssyncset.done $0x0  }
0xc3: {  	s12 =	sadd.s32 $0x200, s11;
	[sflag:s18] =	ssyncadd.s32 $0xFFFFD800  }
0xc4: {  	[tilespmem:s21], [sflag:$0x1] =	stream.indirect.gather [hbm4b:s4+s20], $0x80, s12, s20, $0xb8;
	[tilespmem:$0x1FC00] =	vst v63  }
0xc5: {  	_ =	swait.ge [sflag:s30], $0x2800  }
0xc6: {  	[sflag:s30] =	ssyncset.done $0x0  }
0xc7: {  	s12 =	sadd.s32 $0x1080, s11;
	[sflag:s30] =	ssyncadd.s32 $0xFFFFD800  }
0xc8: {  	[spmem:s2] =	stream.indirect.scatter.add.f32 [tilespmem:s23], [sflag:$0x5], $0x80, s12, s20, $0xb8;
	[tilespmem:$0x1FC00] =	vst v63  }
0xc9: {  	_ =	swait.ge [sflag:s18], $0x2800  }
0xca: {  	[sflag:s18] =	ssyncset.done $0x0  }
0xcb: {  	s12 =	sadd.s32 $0x280, s11;
	[sflag:s18] =	ssyncadd.s32 $0xFFFFD800  }
0xcc: {  	[tilespmem:s23], [sflag:$0x2] =	stream.indirect.gather [hbm4b:s4+s20], $0x80, s12, s20, $0xb8;
	[tilespmem:$0x1FC00] =	vst v63  }
0xcd: {  	_ =	swait.ge [sflag:s31], $0x2800  }
0xce: {  	[sflag:s31] =	ssyncset.done $0x0  }
0xcf: {  	s12 =	sadd.s32 $0x1100, s11;
	[sflag:s31] =	ssyncadd.s32 $0xFFFFD800  }
0xd0: {  	[spmem:s2] =	stream.indirect.scatter.add.f32 [tilespmem:s25], [sflag:$0x5], $0x80, s12, s20, $0xb8;
	[tilespmem:$0x1FC00] =	vst v63  }
0xd1: {  	_ =	swait.ge [sflag:s18], $0x2800  }
0xd2: {  	[sflag:s18] =	ssyncset.done $0x0  }
0xd3: {  	s12 =	sadd.s32 $0x300, s11;
	[sflag:s18] =	ssyncadd.s32 $0xFFFFD800  }
0xd4: {  	[tilespmem:s25], [sflag:$0x3] =	stream.indirect.gather [hbm4b:s4+s20], $0x80, s12, s20, $0xb8;
	[tilespmem:$0x1FC00] =	vst v63  }
0xd5: {  	_ =	swait.ge [sflag:s0], $0x2800  }
0xd6: {  	[sflag:s0] =	ssyncset.done $0x0  }
.Ltmp1:
0xd7: {  	s12 =	sadd.s32 $0x1180, s11;
	[sflag:s0] =	ssyncadd.s32 $0xFFFFD800;
	(pc) =	sbr.rel @p0 .LBB2_4-.Ltmp1, $4  }
0xd8: {  	[spmem:s2] =	stream.indirect.scatter.add.f32 [tilespmem:s28], [sflag:$0x5], $0x80, s12, s20, $0xb8;
	[tilespmem:$0x1FC00] =	vst v63  }
0xd9: {  	_ =	swait.ge [sflag:s18], $0x2800  }
0xda: {  	[sflag:s18] =	ssyncset.done $0x0  }
0xdb: {  	s11 =	sadd.s32 $0x380, s11;
	[sflag:s18] =	ssyncadd.s32 $0xFFFFD800  }
0xdc: {  	[tilespmem:s28], [sflag:$0x4] =	stream.indirect.gather [hbm4b:s4+s20], $0x80, s11, s20, $0xb8;
	[tilespmem:$0x1FC00] =	vst v63  }
0xdd: {  	_ =	swait.ge [sflag:s29], $0x2800  }
0xde: {  	[sflag:s29] =	ssyncset.done $0x0  }
0xdf: {  	[sflag:s29] =	ssyncadd.s32 $0xFFFFD800  }
0xe0: {  	[spmem:s2] =	stream.indirect.scatter.add.f32 [tilespmem:s21], [sflag:$0x5], $0x80, s1, s20, $0xb8;
	[tilespmem:$0x1FC00] =	vst v63  }
0xe1: {  	_ =	swait.ge [sflag:s18], $0x2800  }
0xe2: {  	[sflag:s18] =	ssyncset.done $0x0  }
0xe3: {  	[sflag:s18] =	ssyncadd.s32 $0xFFFFD800  }
0xe4: {  	_ =	swait.ge [sflag:s30], $0x2800  }
0xe5: {  	[sflag:s30] =	ssyncset.done $0x0  }
0xe6: {  	[sflag:s30] =	ssyncadd.s32 $0xFFFFD800  }
0xe7: {  	[spmem:s2] =	stream.indirect.scatter.add.f32 [tilespmem:s23], [sflag:$0x5], $0x80, s5, s20, $0xb8;
	[tilespmem:$0x1FC00] =	vst v63  }
0xe8: {  	_ =	swait.ge [sflag:s18], $0x2800  }
0xe9: {  	[sflag:s18] =	ssyncset.done $0x0  }
0xea: {  	[sflag:s18] =	ssyncadd.s32 $0xFFFFD800  }
0xeb: {  	_ =	swait.ge [sflag:s31], $0x2800  }
0xec: {  	[sflag:s31] =	ssyncset.done $0x0  }
0xed: {  	[sflag:s31] =	ssyncadd.s32 $0xFFFFD800  }
0xee: {  	[spmem:s2] =	stream.indirect.scatter.add.f32 [tilespmem:s25], [sflag:$0x5], $0x80, s7, s20, $0xb8;
	[tilespmem:$0x1FC00] =	vst v63  }
0xef: {  	_ =	swait.ge [sflag:s18], $0x2800  }
0xf0: {  	[sflag:s18] =	ssyncset.done $0x0  }
0xf1: {  	[sflag:s18] =	ssyncadd.s32 $0xFFFFD800  }
0xf2: {  	_ =	swait.ge [sflag:s0], $0x2800  }
0xf3: {  	[sflag:s0] =	ssyncset.done $0x0  }
0xf4: {  	[sflag:s0] =	ssyncadd.s32 $0xFFFFD800  }
0xf5: {  	[spmem:s2] =	stream.indirect.scatter.add.f32 [tilespmem:s28], [sflag:$0x5], $0x80, s8, s20, $0xb8;
	[tilespmem:$0x1FC00] =	vst v63  }
0xf6: {  	_ =	swait.ge [sflag:s18], $0x2800  }
0xf7: {  	[sflag:s18] =	ssyncset.done $0x0  }
0xf8: {  	s10 =	simm.s32 $0x0;
	s12 =	rddreg [dreg:$0x9];
	[sflag:s18] =	ssyncadd.s32 $0xFFFFD800  }
0xf9: {  	[tilespmem:s10], [sflag:$0x5] =	stream.linear.gather [hbm4b:s12+s10], $0x1000, $0x38;
	[tilespmem:$0x1FC00] =	vst v63  }
0xfa: {  	_ =	swait.ge [sflag:s18], $0x1000  }
0xfb: {  	[sflag:s18] =	ssyncset.done $0x0  }
0xfc: {  	s12 =	rddreg [dreg:$0xa];
	[sflag:s18] =	ssyncadd.s32 $0xFFFFF000  }
0xfd: {  	[tilespmem:s19], [sflag:$0x5] =	stream.linear.gather [hbm4b:s12+s10], $0x1000, $0x38;
	[tilespmem:$0x1FC00] =	vst v63  }
0xfe: {  	_ =	swait.ge [sflag:s18], $0x1000  }
0xff: {  	[sflag:s18] =	ssyncset.done $0x0  }
0x100: {  	[sflag:s18] =	ssyncadd.s32 $0xFFFFF000  }
0x101: {  	[tilespmem:s21], [sflag:$0x1] =	stream.indirect.gather [hbm4b:s4+s20], $0x80, s10, s20, $0xb8;
	[tilespmem:$0x1FC00] =	vst v63  }
0x102: {  	_ = 	snop  }
0x103: {  	[tilespmem:s23], [sflag:$0x2] =	stream.indirect.gather [hbm4b:s4+s20], $0x80, s22, s20, $0xb8;
	[tilespmem:$0x1FC00] =	vst v63  }
0x104: {  	_ = 	snop  }
0x105: {  	[tilespmem:s25], [sflag:$0x3] =	stream.indirect.gather [hbm4b:s4+s20], $0x80, s24, s20, $0xb8;
	[tilespmem:$0x1FC00] =	vst v63  }
0x106: {  	_ = 	snop  }
0x107: {  	[tilespmem:s28], [sflag:$0x4] =	stream.indirect.gather [hbm4b:s4+s20], $0x80, s26, s20, $0xb8;
	[tilespmem:$0x1FC00] =	vst v63  }
0x108: {  	_ =	swait.ge [sflag:s29], $0x2800  }
0x109: {  	[sflag:s29] =	ssyncset.done $0x0  }
0x10a: {  	s12 =	simm.s32 $0x1000;
	[sflag:s29] =	ssyncadd.s32 $0xFFFFD800  }
0x10b: {  	[spmem:s2] =	stream.indirect.scatter.add.f32 [tilespmem:s21], [sflag:$0x5], $0x80, s12, s20, $0xb8;
	[tilespmem:$0x1FC00] =	vst v63  }
0x10c: {  	_ =	swait.ge [sflag:s18], $0x2800  }
0x10d: {  	[sflag:s18] =	ssyncset.done $0x0  }
0x10e: {  	s11 =	simm.s32 $0x200;
	[sflag:s18] =	ssyncadd.s32 $0xFFFFD800  }
0x10f: {  	[tilespmem:s21], [sflag:$0x1] =	stream.indirect.gather [hbm4b:s4+s20], $0x80, s11, s20, $0xb8;
	[tilespmem:$0x1FC00] =	vst v63  }
0x110: {  	_ =	swait.ge [sflag:s30], $0x2800  }
0x111: {  	[sflag:s30] =	ssyncset.done $0x0  }
0x112: {  	s12 =	simm.s32 $0x1080;
	[sflag:s30] =	ssyncadd.s32 $0xFFFFD800  }
0x113: {  	[spmem:s2] =	stream.indirect.scatter.add.f32 [tilespmem:s23], [sflag:$0x5], $0x80, s12, s20, $0xb8;
	[tilespmem:$0x1FC00] =	vst v63  }
0x114: {  	_ =	swait.ge [sflag:s18], $0x2800  }
0x115: {  	[sflag:s18] =	ssyncset.done $0x0  }
0x116: {  	s11 =	simm.s32 $0x280;
	[sflag:s18] =	ssyncadd.s32 $0xFFFFD800  }
0x117: {  	[tilespmem:s23], [sflag:$0x2] =	stream.indirect.gather [hbm4b:s4+s20], $0x80, s11, s20, $0xb8;
	[tilespmem:$0x1FC00] =	vst v63  }
0x118: {  	_ =	swait.ge [sflag:s31], $0x2800  }
0x119: {  	[sflag:s31] =	ssyncset.done $0x0  }
0x11a: {  	s12 =	simm.s32 $0x1100;
	[sflag:s31] =	ssyncadd.s32 $0xFFFFD800  }
0x11b: {  	[spmem:s2] =	stream.indirect.scatter.add.f32 [tilespmem:s25], [sflag:$0x5], $0x80, s12, s20, $0xb8;
	[tilespmem:$0x1FC00] =	vst v63  }
0x11c: {  	_ =	swait.ge [sflag:s18], $0x2800  }
0x11d: {  	[sflag:s18] =	ssyncset.done $0x0  }
0x11e: {  	s11 =	simm.s32 $0x300;
	[sflag:s18] =	ssyncadd.s32 $0xFFFFD800  }
0x11f: {  	[tilespmem:s25], [sflag:$0x3] =	stream.indirect.gather [hbm4b:s4+s20], $0x80, s11, s20, $0xb8;
	[tilespmem:$0x1FC00] =	vst v63  }
0x120: {  	_ =	swait.ge [sflag:s0], $0x2800  }
0x121: {  	[sflag:s0] =	ssyncset.done $0x0  }
0x122: {  	s12 =	simm.s32 $0x1180;
	[sflag:s0] =	ssyncadd.s32 $0xFFFFD800  }
0x123: {  	[spmem:s2] =	stream.indirect.scatter.add.f32 [tilespmem:s28], [sflag:$0x5], $0x80, s12, s20, $0xb8;
	[tilespmem:$0x1FC00] =	vst v63  }
0x124: {  	_ =	swait.ge [sflag:s18], $0x2800  }
0x125: {  	[sflag:s18] =	ssyncset.done $0x0  }
0x126: {  	s10 =	simm.s32 $0x800;
	s11 =	simm.s32 $0x380;
	[sflag:s18] =	ssyncadd.s32 $0xFFFFD800  }
.LBB2_6:
0x127: {  	[tilespmem:s28], [sflag:$0x4] =	stream.indirect.gather [hbm4b:s4+s20], $0x80, s11, s20, $0xb8;
	[tilespmem:$0x1FC00] =	vst v63  }
0x128: {  	s11 =	smov.u32 s10  }
0x129: {  	p0 =	sne.s32 s10, $0x3000;
	s10 =	sadd.s32 $0x800, s10;
	_ =	swait.ge [sflag:s29], $0x2800  }
0x12a: {  	s11 =	sshra.s32 s11, $0x2;
	[sflag:s29] =	ssyncset.done $0x0  }
0x12b: {  	s12 =	sadd.s32 $0x1000, s11;
	[sflag:s29] =	ssyncadd.s32 $0xFFFFD800  }
0x12c: {  	[spmem:s2] =	stream.indirect.scatter.add.f32 [tilespmem:s21], [sflag:$0x5], $0x80, s12, s20, $0xb8;
	[tilespmem:$0x1FC00] =	vst v63  }
0x12d: {  	_ =	swait.ge [sflag:s18], $0x2800  }
0x12e: {  	[sflag:s18] =	ssyncset.done $0x0  }
0x12f: {  	s12 =	sadd.s32 $0x200, s11;
	[sflag:s18] =	ssyncadd.s32 $0xFFFFD800  }
0x130: {  	[tilespmem:s21], [sflag:$0x1] =	stream.indirect.gather [hbm4b:s4+s20], $0x80, s12, s20, $0xb8;
	[tilespmem:$0x1FC00] =	vst v63  }
0x131: {  	_ =	swait.ge [sflag:s30], $0x2800  }
0x132: {  	[sflag:s30] =	ssyncset.done $0x0  }
0x133: {  	s12 =	sadd.s32 $0x1080, s11;
	[sflag:s30] =	ssyncadd.s32 $0xFFFFD800  }
0x134: {  	[spmem:s2] =	stream.indirect.scatter.add.f32 [tilespmem:s23], [sflag:$0x5], $0x80, s12, s20, $0xb8;
	[tilespmem:$0x1FC00] =	vst v63  }
0x135: {  	_ =	swait.ge [sflag:s18], $0x2800  }
0x136: {  	[sflag:s18] =	ssyncset.done $0x0  }
0x137: {  	s12 =	sadd.s32 $0x280, s11;
	[sflag:s18] =	ssyncadd.s32 $0xFFFFD800  }
0x138: {  	[tilespmem:s23], [sflag:$0x2] =	stream.indirect.gather [hbm4b:s4+s20], $0x80, s12, s20, $0xb8;
	[tilespmem:$0x1FC00] =	vst v63  }
0x139: {  	_ =	swait.ge [sflag:s31], $0x2800  }
0x13a: {  	[sflag:s31] =	ssyncset.done $0x0  }
0x13b: {  	s12 =	sadd.s32 $0x1100, s11;
	[sflag:s31] =	ssyncadd.s32 $0xFFFFD800  }
0x13c: {  	[spmem:s2] =	stream.indirect.scatter.add.f32 [tilespmem:s25], [sflag:$0x5], $0x80, s12, s20, $0xb8;
	[tilespmem:$0x1FC00] =	vst v63  }
0x13d: {  	_ =	swait.ge [sflag:s18], $0x2800  }
0x13e: {  	[sflag:s18] =	ssyncset.done $0x0  }
0x13f: {  	s12 =	sadd.s32 $0x300, s11;
	[sflag:s18] =	ssyncadd.s32 $0xFFFFD800  }
0x140: {  	[tilespmem:s25], [sflag:$0x3] =	stream.indirect.gather [hbm4b:s4+s20], $0x80, s12, s20, $0xb8;
	[tilespmem:$0x1FC00] =	vst v63  }
0x141: {  	_ =	swait.ge [sflag:s0], $0x2800  }
0x142: {  	[sflag:s0] =	ssyncset.done $0x0  }
.Ltmp2:
0x143: {  	s12 =	sadd.s32 $0x1180, s11;
	[sflag:s0] =	ssyncadd.s32 $0xFFFFD800;
	(pc) =	sbr.rel @p0 .LBB2_6-.Ltmp2, $4  }
0x144: {  	[spmem:s2] =	stream.indirect.scatter.add.f32 [tilespmem:s28], [sflag:$0x5], $0x80, s12, s20, $0xb8;
	[tilespmem:$0x1FC00] =	vst v63  }
0x145: {  	_ =	swait.ge [sflag:s18], $0x2800  }
0x146: {  	[sflag:s18] =	ssyncset.done $0x0  }
0x147: {  	s11 =	sadd.s32 $0x380, s11;
	[sflag:s18] =	ssyncadd.s32 $0xFFFFD800  }
0x148: {  	[tilespmem:s28], [sflag:$0x4] =	stream.indirect.gather [hbm4b:s4+s20], $0x80, s11, s20, $0xb8;
	[tilespmem:$0x1FC00] =	vst v63  }
0x149: {  	_ =	swait.ge [sflag:s29], $0x2800  }
0x14a: {  	[sflag:s29] =	ssyncset.done $0x0  }
0x14b: {  	[sflag:s29] =	ssyncadd.s32 $0xFFFFD800  }
0x14c: {  	[spmem:s2] =	stream.indirect.scatter.add.f32 [tilespmem:s21], [sflag:$0x5], $0x80, s1, s20, $0xb8;
	[tilespmem:$0x1FC00] =	vst v63  }
0x14d: {  	_ =	swait.ge [sflag:s18], $0x2800  }
0x14e: {  	[sflag:s18] =	ssyncset.done $0x0  }
0x14f: {  	[sflag:s18] =	ssyncadd.s32 $0xFFFFD800  }
0x150: {  	_ =	swait.ge [sflag:s30], $0x2800  }
0x151: {  	[sflag:s30] =	ssyncset.done $0x0  }
0x152: {  	[sflag:s30] =	ssyncadd.s32 $0xFFFFD800  }
0x153: {  	[spmem:s2] =	stream.indirect.scatter.add.f32 [tilespmem:s23], [sflag:$0x5], $0x80, s5, s20, $0xb8;
	[tilespmem:$0x1FC00] =	vst v63  }
0x154: {  	_ =	swait.ge [sflag:s18], $0x2800  }
0x155: {  	[sflag:s18] =	ssyncset.done $0x0  }
0x156: {  	[sflag:s18] =	ssyncadd.s32 $0xFFFFD800  }
0x157: {  	_ =	swait.ge [sflag:s31], $0x2800  }
0x158: {  	[sflag:s31] =	ssyncset.done $0x0  }
0x159: {  	[sflag:s31] =	ssyncadd.s32 $0xFFFFD800  }
0x15a: {  	[spmem:s2] =	stream.indirect.scatter.add.f32 [tilespmem:s25], [sflag:$0x5], $0x80, s7, s20, $0xb8;
	[tilespmem:$0x1FC00] =	vst v63  }
0x15b: {  	_ =	swait.ge [sflag:s18], $0x2800  }
0x15c: {  	[sflag:s18] =	ssyncset.done $0x0  }
0x15d: {  	[sflag:s18] =	ssyncadd.s32 $0xFFFFD800  }
0x15e: {  	_ =	swait.ge [sflag:s0], $0x2800  }
0x15f: {  	[sflag:s0] =	ssyncset.done $0x0  }
0x160: {  	[sflag:s0] =	ssyncadd.s32 $0xFFFFD800  }
0x161: {  	[spmem:s2] =	stream.indirect.scatter.add.f32 [tilespmem:s28], [sflag:$0x5], $0x80, s8, s20, $0xb8;
	[tilespmem:$0x1FC00] =	vst v63  }
0x162: {  	_ =	swait.ge [sflag:s18], $0x2800  }
0x163: {  	[sflag:s18] =	ssyncset.done $0x0  }
0x164: {  	s10 =	simm.s32 $0x0;
	[sflag:s18] =	ssyncadd.s32 $0xFFFFD800  }
0x165: {  	[tilespmem:s10], [sflag:$0x5] =	stream.linear.gather [hbm4b:s13+s10], $0x1000, $0x38;
	[tilespmem:$0x1FC00] =	vst v63  }
0x166: {  	_ =	swait.ge [sflag:s18], $0x1000  }
0x167: {  	[sflag:s18] =	ssyncset.done $0x0  }
0x168: {  	[sflag:s18] =	ssyncadd.s32 $0xFFFFF000  }
0x169: {  	[tilespmem:s19], [sflag:$0x5] =	stream.linear.gather [hbm4b:s14+s10], $0x1000, $0x38;
	[tilespmem:$0x1FC00] =	vst v63  }
0x16a: {  	_ =	swait.ge [sflag:s18], $0x1000  }
0x16b: {  	[sflag:s18] =	ssyncset.done $0x0  }
0x16c: {  	[sflag:s18] =	ssyncadd.s32 $0xFFFFF000  }
0x16d: {  	[tilespmem:s21], [sflag:$0x1] =	stream.indirect.gather [hbm4b:s4+s20], $0x80, s10, s20, $0xb8;
	[tilespmem:$0x1FC00] =	vst v63  }
0x16e: {  	_ = 	snop  }
0x16f: {  	[tilespmem:s23], [sflag:$0x2] =	stream.indirect.gather [hbm4b:s4+s20], $0x80, s22, s20, $0xb8;
	[tilespmem:$0x1FC00] =	vst v63  }
0x170: {  	_ = 	snop  }
0x171: {  	[tilespmem:s25], [sflag:$0x3] =	stream.indirect.gather [hbm4b:s4+s20], $0x80, s24, s20, $0xb8;
	[tilespmem:$0x1FC00] =	vst v63  }
0x172: {  	_ = 	snop  }
0x173: {  	[tilespmem:s28], [sflag:$0x4] =	stream.indirect.gather [hbm4b:s4+s20], $0x80, s26, s20, $0xb8;
	[tilespmem:$0x1FC00] =	vst v63  }
0x174: {  	_ =	swait.ge [sflag:s29], $0x2800  }
0x175: {  	[sflag:s29] =	ssyncset.done $0x0  }
0x176: {  	s12 =	simm.s32 $0x1000;
	[sflag:s29] =	ssyncadd.s32 $0xFFFFD800  }
0x177: {  	[spmem:s2] =	stream.indirect.scatter.add.f32 [tilespmem:s21], [sflag:$0x5], $0x80, s12, s20, $0xb8;
	[tilespmem:$0x1FC00] =	vst v63  }
0x178: {  	_ =	swait.ge [sflag:s18], $0x2800  }
0x179: {  	[sflag:s18] =	ssyncset.done $0x0  }
0x17a: {  	s11 =	simm.s32 $0x200;
	[sflag:s18] =	ssyncadd.s32 $0xFFFFD800  }
0x17b: {  	[tilespmem:s21], [sflag:$0x1] =	stream.indirect.gather [hbm4b:s4+s20], $0x80, s11, s20, $0xb8;
	[tilespmem:$0x1FC00] =	vst v63  }
0x17c: {  	_ =	swait.ge [sflag:s30], $0x2800  }
0x17d: {  	[sflag:s30] =	ssyncset.done $0x0  }
0x17e: {  	s12 =	simm.s32 $0x1080;
	[sflag:s30] =	ssyncadd.s32 $0xFFFFD800  }
0x17f: {  	[spmem:s2] =	stream.indirect.scatter.add.f32 [tilespmem:s23], [sflag:$0x5], $0x80, s12, s20, $0xb8;
	[tilespmem:$0x1FC00] =	vst v63  }
0x180: {  	_ =	swait.ge [sflag:s18], $0x2800  }
0x181: {  	[sflag:s18] =	ssyncset.done $0x0  }
0x182: {  	s11 =	simm.s32 $0x280;
	[sflag:s18] =	ssyncadd.s32 $0xFFFFD800  }
0x183: {  	[tilespmem:s23], [sflag:$0x2] =	stream.indirect.gather [hbm4b:s4+s20], $0x80, s11, s20, $0xb8;
	[tilespmem:$0x1FC00] =	vst v63  }
0x184: {  	_ =	swait.ge [sflag:s31], $0x2800  }
0x185: {  	[sflag:s31] =	ssyncset.done $0x0  }
0x186: {  	s12 =	simm.s32 $0x1100;
	[sflag:s31] =	ssyncadd.s32 $0xFFFFD800  }
0x187: {  	[spmem:s2] =	stream.indirect.scatter.add.f32 [tilespmem:s25], [sflag:$0x5], $0x80, s12, s20, $0xb8;
	[tilespmem:$0x1FC00] =	vst v63  }
0x188: {  	_ =	swait.ge [sflag:s18], $0x2800  }
0x189: {  	[sflag:s18] =	ssyncset.done $0x0  }
0x18a: {  	s11 =	simm.s32 $0x300;
	[sflag:s18] =	ssyncadd.s32 $0xFFFFD800  }
0x18b: {  	[tilespmem:s25], [sflag:$0x3] =	stream.indirect.gather [hbm4b:s4+s20], $0x80, s11, s20, $0xb8;
	[tilespmem:$0x1FC00] =	vst v63  }
0x18c: {  	_ =	swait.ge [sflag:s0], $0x2800  }
0x18d: {  	[sflag:s0] =	ssyncset.done $0x0  }
0x18e: {  	s12 =	simm.s32 $0x1180;
	[sflag:s0] =	ssyncadd.s32 $0xFFFFD800  }
0x18f: {  	[spmem:s2] =	stream.indirect.scatter.add.f32 [tilespmem:s28], [sflag:$0x5], $0x80, s12, s20, $0xb8;
	[tilespmem:$0x1FC00] =	vst v63  }
0x190: {  	_ =	swait.ge [sflag:s18], $0x2800  }
0x191: {  	[sflag:s18] =	ssyncset.done $0x0  }
0x192: {  	s10 =	simm.s32 $0x800;
	s11 =	simm.s32 $0x380;
	[sflag:s18] =	ssyncadd.s32 $0xFFFFD800  }
.LBB2_8:
0x193: {  	[tilespmem:s28], [sflag:$0x4] =	stream.indirect.gather [hbm4b:s4+s20], $0x80, s11, s20, $0xb8;
	[tilespmem:$0x1FC00] =	vst v63  }
0x194: {  	s11 =	smov.u32 s10  }
0x195: {  	p0 =	sne.s32 s10, $0x3000;
	s10 =	sadd.s32 $0x800, s10;
	_ =	swait.ge [sflag:s29], $0x2800  }
0x196: {  	s11 =	sshra.s32 s11, $0x2;
	[sflag:s29] =	ssyncset.done $0x0  }
0x197: {  	s12 =	sadd.s32 $0x1000, s11;
	[sflag:s29] =	ssyncadd.s32 $0xFFFFD800  }
0x198: {  	[spmem:s2] =	stream.indirect.scatter.add.f32 [tilespmem:s21], [sflag:$0x5], $0x80, s12, s20, $0xb8;
	[tilespmem:$0x1FC00] =	vst v63  }
0x199: {  	_ =	swait.ge [sflag:s18], $0x2800  }
0x19a: {  	[sflag:s18] =	ssyncset.done $0x0  }
0x19b: {  	s12 =	sadd.s32 $0x200, s11;
	[sflag:s18] =	ssyncadd.s32 $0xFFFFD800  }
0x19c: {  	[tilespmem:s21], [sflag:$0x1] =	stream.indirect.gather [hbm4b:s4+s20], $0x80, s12, s20, $0xb8;
	[tilespmem:$0x1FC00] =	vst v63  }
0x19d: {  	_ =	swait.ge [sflag:s30], $0x2800  }
0x19e: {  	[sflag:s30] =	ssyncset.done $0x0  }
0x19f: {  	s12 =	sadd.s32 $0x1080, s11;
	[sflag:s30] =	ssyncadd.s32 $0xFFFFD800  }
0x1a0: {  	[spmem:s2] =	stream.indirect.scatter.add.f32 [tilespmem:s23], [sflag:$0x5], $0x80, s12, s20, $0xb8;
	[tilespmem:$0x1FC00] =	vst v63  }
0x1a1: {  	_ =	swait.ge [sflag:s18], $0x2800  }
0x1a2: {  	[sflag:s18] =	ssyncset.done $0x0  }
0x1a3: {  	s12 =	sadd.s32 $0x280, s11;
	[sflag:s18] =	ssyncadd.s32 $0xFFFFD800  }
0x1a4: {  	[tilespmem:s23], [sflag:$0x2] =	stream.indirect.gather [hbm4b:s4+s20], $0x80, s12, s20, $0xb8;
	[tilespmem:$0x1FC00] =	vst v63  }
0x1a5: {  	_ =	swait.ge [sflag:s31], $0x2800  }
0x1a6: {  	[sflag:s31] =	ssyncset.done $0x0  }
0x1a7: {  	s12 =	sadd.s32 $0x1100, s11;
	[sflag:s31] =	ssyncadd.s32 $0xFFFFD800  }
0x1a8: {  	[spmem:s2] =	stream.indirect.scatter.add.f32 [tilespmem:s25], [sflag:$0x5], $0x80, s12, s20, $0xb8;
	[tilespmem:$0x1FC00] =	vst v63  }
0x1a9: {  	_ =	swait.ge [sflag:s18], $0x2800  }
0x1aa: {  	[sflag:s18] =	ssyncset.done $0x0  }
0x1ab: {  	s12 =	sadd.s32 $0x300, s11;
	[sflag:s18] =	ssyncadd.s32 $0xFFFFD800  }
0x1ac: {  	[tilespmem:s25], [sflag:$0x3] =	stream.indirect.gather [hbm4b:s4+s20], $0x80, s12, s20, $0xb8;
	[tilespmem:$0x1FC00] =	vst v63  }
0x1ad: {  	_ =	swait.ge [sflag:s0], $0x2800  }
0x1ae: {  	[sflag:s0] =	ssyncset.done $0x0  }
.Ltmp3:
0x1af: {  	s12 =	sadd.s32 $0x1180, s11;
	[sflag:s0] =	ssyncadd.s32 $0xFFFFD800;
	(pc) =	sbr.rel @p0 .LBB2_8-.Ltmp3, $4  }
0x1b0: {  	[spmem:s2] =	stream.indirect.scatter.add.f32 [tilespmem:s28], [sflag:$0x5], $0x80, s12, s20, $0xb8;
	[tilespmem:$0x1FC00] =	vst v63  }
0x1b1: {  	_ =	swait.ge [sflag:s18], $0x2800  }
0x1b2: {  	[sflag:s18] =	ssyncset.done $0x0  }
0x1b3: {  	s11 =	sadd.s32 $0x380, s11;
	[sflag:s18] =	ssyncadd.s32 $0xFFFFD800  }
0x1b4: {  	[tilespmem:s28], [sflag:$0x4] =	stream.indirect.gather [hbm4b:s4+s20], $0x80, s11, s20, $0xb8;
	[tilespmem:$0x1FC00] =	vst v63  }
0x1b5: {  	_ =	swait.ge [sflag:s29], $0x2800  }
0x1b6: {  	[sflag:s29] =	ssyncset.done $0x0  }
0x1b7: {  	[sflag:s29] =	ssyncadd.s32 $0xFFFFD800  }
0x1b8: {  	[spmem:s2] =	stream.indirect.scatter.add.f32 [tilespmem:s21], [sflag:$0x5], $0x80, s1, s20, $0xb8;
	[tilespmem:$0x1FC00] =	vst v63  }
0x1b9: {  	_ =	swait.ge [sflag:s18], $0x2800  }
0x1ba: {  	[sflag:s18] =	ssyncset.done $0x0  }
0x1bb: {  	[sflag:s18] =	ssyncadd.s32 $0xFFFFD800  }
0x1bc: {  	_ =	swait.ge [sflag:s30], $0x2800  }
0x1bd: {  	[sflag:s30] =	ssyncset.done $0x0  }
0x1be: {  	[sflag:s30] =	ssyncadd.s32 $0xFFFFD800  }
0x1bf: {  	[spmem:s2] =	stream.indirect.scatter.add.f32 [tilespmem:s23], [sflag:$0x5], $0x80, s5, s20, $0xb8;
	[tilespmem:$0x1FC00] =	vst v63  }
0x1c0: {  	_ =	swait.ge [sflag:s18], $0x2800  }
0x1c1: {  	[sflag:s18] =	ssyncset.done $0x0  }
0x1c2: {  	[sflag:s18] =	ssyncadd.s32 $0xFFFFD800  }
0x1c3: {  	_ =	swait.ge [sflag:s31], $0x2800  }
0x1c4: {  	[sflag:s31] =	ssyncset.done $0x0  }
0x1c5: {  	[sflag:s31] =	ssyncadd.s32 $0xFFFFD800  }
0x1c6: {  	[spmem:s2] =	stream.indirect.scatter.add.f32 [tilespmem:s25], [sflag:$0x5], $0x80, s7, s20, $0xb8;
	[tilespmem:$0x1FC00] =	vst v63  }
0x1c7: {  	_ =	swait.ge [sflag:s18], $0x2800  }
0x1c8: {  	[sflag:s18] =	ssyncset.done $0x0  }
0x1c9: {  	[sflag:s18] =	ssyncadd.s32 $0xFFFFD800  }
0x1ca: {  	_ =	swait.ge [sflag:s0], $0x2800  }
0x1cb: {  	[sflag:s0] =	ssyncset.done $0x0  }
0x1cc: {  	[sflag:s0] =	ssyncadd.s32 $0xFFFFD800  }
0x1cd: {  	[spmem:s2] =	stream.indirect.scatter.add.f32 [tilespmem:s28], [sflag:$0x5], $0x80, s8, s20, $0xb8;
	[tilespmem:$0x1FC00] =	vst v63  }
0x1ce: {  	_ =	swait.ge [sflag:s18], $0x2800  }
0x1cf: {  	s9 =	sadd.s32 $0x1, s9;
	[sflag:s18] =	ssyncset.done $0x0  }
0x1d0: {  	p0 =	sne.s32 s9, s16;
	[sflag:s18] =	ssyncadd.s32 $0xFFFFD800  }
.Ltmp4:
0x1d1: {  	[bflag:$0x0] =	sbarrier.arrive $0xFFFF;
	(pc) =	sbr.rel @p0 .LBB2_1-.Ltmp4, $4  }
0x1d2: {  	[hbm:s15], [sflag:s6] =	dma.local [spmem:s17], $0x2780  }
0x1d3: {  	_ =	swait.ge [sflag:s18], $0x2780  }
0x1d4: {  	[sflag:s18] =	ssyncset.done $0x0  }
0x1d5: {  	[sflag:s18] =	ssyncadd.s32 $0xFFFFD880  }
0x1d6: {  	_ =	sfence.sel $0x180000  }
0x1d7: {  	[bflag:$0x0] =	sbarrier.arrive $0xFFFF  }
0x1d8: {  	_ =	strace $0x90000047  }
0x1d9: {  	s0 =	stileid.u32;
	[bflag:$0x2] =	sbarrier.arrive $0xFFFF  }
0x1da: {  	p0 =	sne.s32 s0, $0x0;
	s0 =	rddreg [dreg:$0x3]  }
0x1db: {  	s0 =	sadd.s32 @!p0 $0x100000, s0  }
0x1dc: {  	[sflag:s0] =	ssyncadd.tile.s32 @!p0 $0x1;
	_ =	shalt  }
.Lfunc_end2:
_tile_overlayer_lowered:
.L_overlay_start_2:
0x1dd: {  	(tag) =	ssettag $0x2  }
0x1de: {  	s0 =	rddreg [dreg:$0x0];
	s2 =	stileid.u32  }
0x1df: {  	s1 =	rddreg [dreg:$0x1];
	p0 =	sne.s32 s2, $0x0  }
0x1e0: {  	s3 =	rddreg [dreg:$0x2];
	[bflag:$0x3] =	sbarrier.arrive $0xFFFF;
	s2 =	simm.s32 @!p0 $0x1C05  }
0x1e1: {  	[timem:s3], [sflag:s2] =	dma.local @!p0 [hbm:s0], s1  }
0x1e2: {  	s0 =	simm.s32 @!p0 $0x5  }
0x1e3: {  	_ =	swait.ge @!p0 [sflag:s0], s1  }
0x1e4: {  	s1 =	ssub.s32 @!p0 $0x0, s1;
	[sflag:s0] =	ssyncset.done @!p0 $0x0  }
0x1e5: {  	[sflag:s0] =	ssyncadd.s32 @!p0 s1  }
0x1e6: {  	[bflag:$0x3] =	sbarrier.arrive $0xFFFF  }
0x1e7: {  	_ =	shalt  }

</sc_bundles>
